<compile_context>
chip_gen: v7x
topology: tpu7x:2x2x1
jax: 0.10.2.dev20260603
libtpu: 0.0.44.dev20260713+nightly
codegen_flags: <defaults>
</compile_context>

<pallas_src>
import functools

import jax
import jax.numpy as jnp
from jax import lax
from jax.experimental import pallas as pl
from jax.experimental.pallas import tpu as pltpu
from jax.experimental.pallas import tpu_sc as plsc

ROWS = 128
COLS = 32768
L = 16
NW = 32
SC_ROWS = 64
TC_ROWS = ROWS - SC_ROWS
ROWS_PER_W = SC_ROWS // NW
NACC = 4
UNROLL = 2
CHUNKS_PER_IT = NACC * UNROLL
NITERS = COLS // (CHUNKS_PER_IT * L)

_mesh = plsc.VectorSubcoreMesh(core_axis_name="c", subcore_axis_name="s")


def _merge(m0, b0, m1, b1):
    take1 = (m1 > m0) | ((m1 == m0) & (b1 < b0))
    return jnp.where(take1, m1, m0), jnp.where(take1, b1, b0)


HALF = COLS // 2
NITERS_H = HALF // (CHUNKS_PER_IT * L)


def _span_pairs(row_ref, base):
    iota = lax.iota(jnp.int32, L)
    neg_inf = jnp.full((L,), -jnp.inf, dtype=jnp.float32)
    zero = jnp.zeros((L,), jnp.int32)

    def step(i, carry):
        ms, bs = list(carry[0]), list(carry[1])
        for u in range(UNROLL):
            sid = i * UNROLL + u
            sid_v = jnp.full((L,), sid, dtype=jnp.int32)
            off = base + sid * (NACC * L)
            for a in range(NACC):
                v = row_ref[pl.ds(off + a * L, L)]
                gt = v > ms[a]
                ms[a] = jnp.where(gt, v, ms[a])
                bs[a] = jnp.where(gt, sid_v, bs[a])
        return tuple(ms), tuple(bs)

    ms, bs = lax.fori_loop(
        0, NITERS_H, step, ((neg_inf,) * NACC, (zero,) * NACC))

    pairs = [(ms[a], bs[a] * (NACC * L) + (base + a * L) + iota)
             for a in range(NACC)]
    while len(pairs) > 1:
        pairs = [
            _merge(pairs[k][0], pairs[k][1], pairs[k + 1][0], pairs[k + 1][1])
            for k in range(0, len(pairs), 2)
        ]
    return pairs[0]


def _lane_argmax(vm, vb):
    iota = lax.iota(jnp.int32, L)
    for sh in (8, 4, 2, 1):
        perm = iota ^ sh
        m2 = vm.at[perm].get(mode="promise_in_bounds")
        b2 = vb.at[perm].get(mode="promise_in_bounds")
        vm, vb = _merge(vm, vb, m2, b2)
    return vb


@functools.partial(
    pl.kernel,
    out_type=jax.ShapeDtypeStruct((NW, L), jnp.int32),
    mesh=_mesh,
    scratch_types=[
        pltpu.VMEM((2, COLS), jnp.float32),
        pltpu.VMEM((L,), jnp.int32),
        pltpu.SemaphoreType.DMA,
        pltpu.SemaphoreType.DMA,
        pltpu.SemaphoreType.DMA,
        pltpu.SemaphoreType.DMA,
    ],
)
def _sc_argmax(x_hbm, out_hbm, buf, res, sem0, sem1, sem2, sem3):
    cid = lax.axis_index("c")
    sid = lax.axis_index("s")
    wid = sid * 2 + cid
    row0 = TC_ROWS + wid * ROWS_PER_W
    iota = lax.iota(jnp.int32, L)
    sems = (sem0, sem1, sem2, sem3)

    def half_copy(j, h):
        return pltpu.make_async_copy(
            x_hbm.at[row0 + j, pl.ds(h * HALF, HALF)],
            buf.at[j, pl.ds(h * HALF, HALF)],
            sems[2 * j + h])

    for j in range(ROWS_PER_W):
        for h in range(2):
            half_copy(j, h).start()

    resvec = jnp.zeros((L,), jnp.int32)
    for j in range(ROWS_PER_W):
        half_copy(j, 0).wait()
        vm0, vb0 = _span_pairs(buf.at[j], 0)
        half_copy(j, 1).wait()
        vm1, vb1 = _span_pairs(buf.at[j], HALF)
        vm, vb = _merge(vm0, vb0, vm1, vb1)
        ans = _lane_argmax(vm, vb)
        resvec = jnp.where(iota == j, ans, resvec)
    res[...] = resvec
    pltpu.sync_copy(res, out_hbm.at[wid])


TC_BLK = 16


def _tc_body(x_ref, o_ref):
    v = x_ref[...]
    m = jnp.max(v, axis=1, keepdims=True)
    idx2 = lax.broadcasted_iota(jnp.int32, (TC_BLK, COLS), 1)
    cand = jnp.where(v == m, idx2, jnp.int32(0x7FFFFFFF))
    o_ref[...] = jnp.min(cand, axis=1).reshape(1, 1, TC_BLK)


_tc_argmax = pl.pallas_call(
    _tc_body,
    grid=(TC_ROWS // TC_BLK,),
    in_specs=[pl.BlockSpec((TC_BLK, COLS), lambda i: (i, 0))],
    out_specs=pl.BlockSpec((1, 1, TC_BLK), lambda i: (i, 0, 0)),
    out_shape=jax.ShapeDtypeStruct((TC_ROWS // TC_BLK, 1, TC_BLK), jnp.int32),
)


def kernel(x):
    sc_out = _sc_argmax(x)
    tc_idx = _tc_argmax(x).reshape(TC_ROWS)
    sc_idx = sc_out[:, :ROWS_PER_W].reshape(SC_ROWS)
    return jnp.concatenate([tc_idx, sc_idx]).astype(jnp.int64)

# --- scband reference (transcript-rebuilt; emitter-appended) ---
"""Pipeline reference for scband-argmax-layer-13237089206860 (READ-ONLY COPY).

The authoritative reference and input builder live on the scoring server;
editing this copy changes nothing except your own understanding.
"""

import jax, jax.numpy as jnp
import numpy as np

def setup_inputs(seed: int = 0) -> dict:
    key = jax.random.key(seed)
    x = jax.random.normal(key, (128, 32768), dtype=jnp.float32)
    return {"x": x}

def reference(x):
    argmax_indices = jnp.argmax(x, axis=-1)
    return argmax_indices.astype(jnp.int64)

if __name__ == "__main__":
    import jax
    _d = setup_inputs()
    print(jax.jit(kernel)(*tuple(_d.values())))

</pallas_src>

<mosaic_0001>
#map = affine_map<(d0, d1) -> (0, 0)>
module attributes {stable_mosaic.version = 14 : i64} {
  func.func @_sc_argmax(%arg0: i32, %arg1: i32, %arg2: memref<128x32768xf32, #tpu.memory_space<hbm>>, %arg3: memref<32x16xi32, #tpu.memory_space<hbm>>, %arg4: memref<2x32768xf32, #tpu.memory_space<vmem>>, %arg5: memref<16xi32, #tpu.memory_space<vmem>>, %arg6: memref<!tpu.dma_semaphore, #tpu.memory_space<semaphore_mem>>, %arg7: memref<!tpu.dma_semaphore, #tpu.memory_space<semaphore_mem>>, %arg8: memref<!tpu.dma_semaphore, #tpu.memory_space<semaphore_mem>>, %arg9: memref<!tpu.dma_semaphore, #tpu.memory_space<semaphore_mem>>) attributes {dimension_semantics = [#tpu.dimension_semantics<core_parallel>, #tpu.dimension_semantics<subcore_parallel>], iteration_bounds = array<i64: 2, 16>, scalar_prefetch = 0 : i64, scratch_operands = 6 : i64, tpu.core_type = #tpu.core_type<sc_vector_subcore>, window_params = [{transform_indices = #map}, {transform_indices = #map}]} {
    %mul3A = arith.constant 2 : i32
    %mul3A_0 = arith.muli %arg1, %mul3A : i32
    %add3A = arith.addi %mul3A_0, %arg0 : i32
    %mul3A_1 = arith.constant 2 : i32
    %mul3A_2 = arith.muli %add3A, %mul3A_1 : i32
    %add3A_3 = arith.constant 64 : i32
    %add3A_4 = arith.addi %add3A_3, %mul3A_2 : i32
    %iota3A = tpu.iota {dimensions = array<i32: 0>} : vector<16xi32>
    %add3A_5 = arith.constant 0 : i32
    %add3A_6 = arith.addi %add3A_4, %add3A_5 : i32
    %dma_start3A = arith.constant 0 : i32
    %dma_start3A_7 = arith.constant 0 : i32
    %dma_start3A_8 = tpu.memref_slice %arg4[%dma_start3A, %dma_start3A_7] : memref<2x32768xf32, #tpu.memory_space<vmem>> -> memref<1x16384xf32, #tpu.memory_space<vmem>>
    %dma_start3A_9 = tpu.memref_squeeze %dma_start3A_8 : memref<1x16384xf32, #tpu.memory_space<vmem>> -> memref<16384xf32, #tpu.memory_space<vmem>>
    %dma_start3A_10 = arith.constant 0 : i32
    %dma_start3A_11 = tpu.memref_slice %arg2[%add3A_6, %dma_start3A_10] : memref<128x32768xf32, #tpu.memory_space<hbm>> -> memref<1x16384xf32, #tpu.memory_space<hbm>>
    %dma_start3A_12 = tpu.memref_squeeze %dma_start3A_11 : memref<1x16384xf32, #tpu.memory_space<hbm>> -> memref<16384xf32, #tpu.memory_space<hbm>>
    %dma_start3A_13 = arith.constant 0 : i32
    %dma_start3A_14 = tpu.memref_slice %arg4[%dma_start3A, %dma_start3A_13] : memref<2x32768xf32, #tpu.memory_space<vmem>> -> memref<1x16384xf32, #tpu.memory_space<vmem>>
    %dma_start3A_15 = tpu.memref_squeeze %dma_start3A_14 : memref<1x16384xf32, #tpu.memory_space<vmem>> -> memref<16384xf32, #tpu.memory_space<vmem>>
    %dma_start3A_16 = arith.constant 0 : i32
    %dma_start3A_17 = tpu.memref_slice %arg2[%add3A_6, %dma_start3A_16] : memref<128x32768xf32, #tpu.memory_space<hbm>> -> memref<1x16384xf32, #tpu.memory_space<hbm>>
    %dma_start3A_18 = tpu.memref_squeeze %dma_start3A_17 : memref<1x16384xf32, #tpu.memory_space<hbm>> -> memref<16384xf32, #tpu.memory_space<hbm>>
    tpu.enqueue_dma source(%dma_start3A_18 : memref<16384xf32, #tpu.memory_space<hbm>>) target(%dma_start3A_15 : memref<16384xf32, #tpu.memory_space<vmem>>) target_semaphore(%arg6 : memref<!tpu.dma_semaphore, #tpu.memory_space<semaphore_mem>>)
    %add3A_19 = arith.constant 0 : i32
    %add3A_20 = arith.addi %add3A_4, %add3A_19 : i32
    %dma_start3A_21 = arith.constant 0 : i32
    %dma_start3A_22 = arith.constant 16384 : i32
    %dma_start3A_23 = tpu.memref_slice %arg4[%dma_start3A_21, %dma_start3A_22] : memref<2x32768xf32, #tpu.memory_space<vmem>> -> memref<1x16384xf32, #tpu.memory_space<vmem>>
    %dma_start3A_24 = tpu.memref_squeeze %dma_start3A_23 : memref<1x16384xf32, #tpu.memory_space<vmem>> -> memref<16384xf32, #tpu.memory_space<vmem>>
    %dma_start3A_25 = arith.constant 16384 : i32
    %dma_start3A_26 = tpu.memref_slice %arg2[%add3A_20, %dma_start3A_25] : memref<128x32768xf32, #tpu.memory_space<hbm>> -> memref<1x16384xf32, #tpu.memory_space<hbm>>
    %dma_start3A_27 = tpu.memref_squeeze %dma_start3A_26 : memref<1x16384xf32, #tpu.memory_space<hbm>> -> memref<16384xf32, #tpu.memory_space<hbm>>
    %dma_start3A_28 = arith.constant 16384 : i32
    %dma_start3A_29 = tpu.memref_slice %arg4[%dma_start3A_21, %dma_start3A_28] : memref<2x32768xf32, #tpu.memory_space<vmem>> -> memref<1x16384xf32, #tpu.memory_space<vmem>>
    %dma_start3A_30 = tpu.memref_squeeze %dma_start3A_29 : memref<1x16384xf32, #tpu.memory_space<vmem>> -> memref<16384xf32, #tpu.memory_space<vmem>>
    %dma_start3A_31 = arith.constant 16384 : i32
    %dma_start3A_32 = tpu.memref_slice %arg2[%add3A_20, %dma_start3A_31] : memref<128x32768xf32, #tpu.memory_space<hbm>> -> memref<1x16384xf32, #tpu.memory_space<hbm>>
    %dma_start3A_33 = tpu.memref_squeeze %dma_start3A_32 : memref<1x16384xf32, #tpu.memory_space<hbm>> -> memref<16384xf32, #tpu.memory_space<hbm>>
    tpu.enqueue_dma source(%dma_start3A_33 : memref<16384xf32, #tpu.memory_space<hbm>>) target(%dma_start3A_30 : memref<16384xf32, #tpu.memory_space<vmem>>) target_semaphore(%arg7 : memref<!tpu.dma_semaphore, #tpu.memory_space<semaphore_mem>>)
    %add3A_34 = arith.constant 1 : i32
    %add3A_35 = arith.addi %add3A_4, %add3A_34 : i32
    %dma_start3A_36 = arith.constant 1 : i32
    %dma_start3A_37 = arith.constant 0 : i32
    %dma_start3A_38 = tpu.memref_slice %arg4[%dma_start3A_36, %dma_start3A_37] : memref<2x32768xf32, #tpu.memory_space<vmem>> -> memref<1x16384xf32, #tpu.memory_space<vmem>>
    %dma_start3A_39 = tpu.memref_squeeze %dma_start3A_38 : memref<1x16384xf32, #tpu.memory_space<vmem>> -> memref<16384xf32, #tpu.memory_space<vmem>>
    %dma_start3A_40 = arith.constant 0 : i32
    %dma_start3A_41 = tpu.memref_slice %arg2[%add3A_35, %dma_start3A_40] : memref<128x32768xf32, #tpu.memory_space<hbm>> -> memref<1x16384xf32, #tpu.memory_space<hbm>>
    %dma_start3A_42 = tpu.memref_squeeze %dma_start3A_41 : memref<1x16384xf32, #tpu.memory_space<hbm>> -> memref<16384xf32, #tpu.memory_space<hbm>>
    %dma_start3A_43 = arith.constant 0 : i32
    %dma_start3A_44 = tpu.memref_slice %arg4[%dma_start3A_36, %dma_start3A_43] : memref<2x32768xf32, #tpu.memory_space<vmem>> -> memref<1x16384xf32, #tpu.memory_space<vmem>>
    %dma_start3A_45 = tpu.memref_squeeze %dma_start3A_44 : memref<1x16384xf32, #tpu.memory_space<vmem>> -> memref<16384xf32, #tpu.memory_space<vmem>>
    %dma_start3A_46 = arith.constant 0 : i32
    %dma_start3A_47 = tpu.memref_slice %arg2[%add3A_35, %dma_start3A_46] : memref<128x32768xf32, #tpu.memory_space<hbm>> -> memref<1x16384xf32, #tpu.memory_space<hbm>>
    %dma_start3A_48 = tpu.memref_squeeze %dma_start3A_47 : memref<1x16384xf32, #tpu.memory_space<hbm>> -> memref<16384xf32, #tpu.memory_space<hbm>>
    tpu.enqueue_dma source(%dma_start3A_48 : memref<16384xf32, #tpu.memory_space<hbm>>) target(%dma_start3A_45 : memref<16384xf32, #tpu.memory_space<vmem>>) target_semaphore(%arg8 : memref<!tpu.dma_semaphore, #tpu.memory_space<semaphore_mem>>)
    %add3A_49 = arith.constant 1 : i32
    %add3A_50 = arith.addi %add3A_4, %add3A_49 : i32
    %dma_start3A_51 = arith.constant 1 : i32
    %dma_start3A_52 = arith.constant 16384 : i32
    %dma_start3A_53 = tpu.memref_slice %arg4[%dma_start3A_51, %dma_start3A_52] : memref<2x32768xf32, #tpu.memory_space<vmem>> -> memref<1x16384xf32, #tpu.memory_space<vmem>>
    %dma_start3A_54 = tpu.memref_squeeze %dma_start3A_53 : memref<1x16384xf32, #tpu.memory_space<vmem>> -> memref<16384xf32, #tpu.memory_space<vmem>>
    %dma_start3A_55 = arith.constant 16384 : i32
    %dma_start3A_56 = tpu.memref_slice %arg2[%add3A_50, %dma_start3A_55] : memref<128x32768xf32, #tpu.memory_space<hbm>> -> memref<1x16384xf32, #tpu.memory_space<hbm>>
    %dma_start3A_57 = tpu.memref_squeeze %dma_start3A_56 : memref<1x16384xf32, #tpu.memory_space<hbm>> -> memref<16384xf32, #tpu.memory_space<hbm>>
    %dma_start3A_58 = arith.constant 16384 : i32
    %dma_start3A_59 = tpu.memref_slice %arg4[%dma_start3A_51, %dma_start3A_58] : memref<2x32768xf32, #tpu.memory_space<vmem>> -> memref<1x16384xf32, #tpu.memory_space<vmem>>
    %dma_start3A_60 = tpu.memref_squeeze %dma_start3A_59 : memref<1x16384xf32, #tpu.memory_space<vmem>> -> memref<16384xf32, #tpu.memory_space<vmem>>
    %dma_start3A_61 = arith.constant 16384 : i32
    %dma_start3A_62 = tpu.memref_slice %arg2[%add3A_50, %dma_start3A_61] : memref<128x32768xf32, #tpu.memory_space<hbm>> -> memref<1x16384xf32, #tpu.memory_space<hbm>>
    %dma_start3A_63 = tpu.memref_squeeze %dma_start3A_62 : memref<1x16384xf32, #tpu.memory_space<hbm>> -> memref<16384xf32, #tpu.memory_space<hbm>>
    tpu.enqueue_dma source(%dma_start3A_63 : memref<16384xf32, #tpu.memory_space<hbm>>) target(%dma_start3A_60 : memref<16384xf32, #tpu.memory_space<vmem>>) target_semaphore(%arg9 : memref<!tpu.dma_semaphore, #tpu.memory_space<semaphore_mem>>)
    %broadcast_in_dim3A = arith.constant 0 : i32
    %broadcast_in_dim3A_64 = vector.broadcast %broadcast_in_dim3A : i32 to vector<16xi32>
    %add3A_65 = arith.constant 0 : i32
    %add3A_66 = arith.addi %add3A_4, %add3A_65 : i32
    %dma_wait3A = arith.constant 0 : i32
    %dma_wait3A_67 = arith.constant 0 : i32
    %dma_wait3A_68 = tpu.memref_slice %arg4[%dma_wait3A, %dma_wait3A_67] : memref<2x32768xf32, #tpu.memory_space<vmem>> -> memref<1x16384xf32, #tpu.memory_space<vmem>>
    %dma_wait3A_69 = tpu.memref_squeeze %dma_wait3A_68 : memref<1x16384xf32, #tpu.memory_space<vmem>> -> memref<16384xf32, #tpu.memory_space<vmem>>
    %dma_wait3A_70 = arith.constant 0 : i32
    %dma_wait3A_71 = tpu.memref_slice %arg2[%add3A_66, %dma_wait3A_70] : memref<128x32768xf32, #tpu.memory_space<hbm>> -> memref<1x16384xf32, #tpu.memory_space<hbm>>
    %dma_wait3A_72 = tpu.memref_squeeze %dma_wait3A_71 : memref<1x16384xf32, #tpu.memory_space<hbm>> -> memref<16384xf32, #tpu.memory_space<hbm>>
    %dma_wait3A_73 = arith.constant 0 : i32
    %dma_wait3A_74 = tpu.memref_slice %arg4[%dma_wait3A, %dma_wait3A_73] : memref<2x32768xf32, #tpu.memory_space<vmem>> -> memref<1x16384xf32, #tpu.memory_space<vmem>>
    %dma_wait3A_75 = tpu.memref_squeeze %dma_wait3A_74 : memref<1x16384xf32, #tpu.memory_space<vmem>> -> memref<16384xf32, #tpu.memory_space<vmem>>
    %dma_wait3A_76 = arith.constant 0 : i32
    %dma_wait3A_77 = tpu.memref_slice %arg2[%add3A_66, %dma_wait3A_76] : memref<128x32768xf32, #tpu.memory_space<hbm>> -> memref<1x16384xf32, #tpu.memory_space<hbm>>
    %dma_wait3A_78 = tpu.memref_squeeze %dma_wait3A_77 : memref<1x16384xf32, #tpu.memory_space<hbm>> -> memref<16384xf32, #tpu.memory_space<hbm>>
    tpu.wait_dma2 semaphore(%arg6 : memref<!tpu.dma_semaphore, #tpu.memory_space<semaphore_mem>>) src(%dma_wait3A_78 : memref<16384xf32, #tpu.memory_space<hbm>>) dst(%dma_wait3A_75 : memref<16384xf32, #tpu.memory_space<vmem>>)
    %iota3A_79 = tpu.iota {dimensions = array<i32: 0>} : vector<16xi32>
    %broadcast_in_dim3A_80 = arith.constant 0xFF800000 : f32
    %broadcast_in_dim3A_81 = vector.broadcast %broadcast_in_dim3A_80 : f32 to vector<16xf32>
    %broadcast_in_dim3A_82 = arith.constant 0 : i32
    %broadcast_in_dim3A_83 = vector.broadcast %broadcast_in_dim3A_82 : i32 to vector<16xi32>
    %scan3A = arith.constant 0 : i32
    %scan3A_84 = arith.constant 0 : i32
    %scan3A_85 = arith.constant 128 : i32
    %scan3A_86 = arith.addi %scan3A_84, %scan3A_85 : i32
    %scan3A_87 = arith.constant 1 : i32
    %scan3A_88:8 = scf.for %scan3A_626 = %scan3A_84 to %scan3A_86 step %scan3A_87 iter_args(%scan3A_627 = %broadcast_in_dim3A_81, %scan3A_628 = %broadcast_in_dim3A_81, %scan3A_629 = %broadcast_in_dim3A_81, %scan3A_630 = %broadcast_in_dim3A_81, %scan3A_631 = %broadcast_in_dim3A_83, %scan3A_632 = %broadcast_in_dim3A_83, %scan3A_633 = %broadcast_in_dim3A_83, %scan3A_634 = %broadcast_in_dim3A_83) -> (vector<16xf32>, vector<16xf32>, vector<16xf32>, vector<16xf32>, vector<16xi32>, vector<16xi32>, vector<16xi32>, vector<16xi32>)  : i32 {
      %mul3A_635 = arith.constant 2 : i32
      %mul3A_636 = arith.muli %scan3A_626, %mul3A_635 : i32
      %add3A_637 = arith.constant 0 : i32
      %add3A_638 = arith.addi %mul3A_636, %add3A_637 : i32
      %broadcast_in_dim3A_639 = vector.broadcast %add3A_638 : i32 to vector<16xi32>
      %mul3A_640 = arith.constant 64 : i32
      %mul3A_641 = arith.muli %add3A_638, %mul3A_640 : i32
      %add3A_642 = arith.constant 0 : i32
      %add3A_643 = arith.addi %add3A_642, %mul3A_641 : i32
      %add3A_644 = arith.constant 0 : i32
      %add3A_645 = arith.addi %add3A_643, %add3A_644 : i32
      %get3A = arith.constant 0 : i32
      %get3A_646 = tpu.memref_slice %arg4[%scan3A, %get3A] : memref<2x32768xf32, #tpu.memory_space<vmem>> -> memref<1x32768xf32, #tpu.memory_space<vmem>>
      %get3A_647 = tpu.memref_squeeze %get3A_646 : memref<1x32768xf32, #tpu.memory_space<vmem>> -> memref<32768xf32, #tpu.memory_space<vmem>>
      %get3A_648 = arith.index_cast %add3A_645 : i32 to index
      %get3A_649 = tpu.vector_load %get3A_647[%get3A_648] {strides = array<i32>} : memref<32768xf32, #tpu.memory_space<vmem>>, vector<16xf32>,
      %get3A_650 = vector.shape_cast %get3A_649 : vector<16xf32> to vector<16xf32>
      %gt3A_651 = arith.cmpf ogt, %get3A_650, %scan3A_627 : vector<16xf32>
      %select_n3A_652 = arith.select %gt3A_651, %get3A_650, %scan3A_627 : vector<16xi1>, vector<16xf32>
      %select_n3A_653 = arith.select %gt3A_651, %broadcast_in_dim3A_639, %scan3A_631 : vector<16xi1>, vector<16xi32>
      %add3A_654 = arith.constant 16 : i32
      %add3A_655 = arith.addi %add3A_643, %add3A_654 : i32
      %get3A_656 = arith.constant 0 : i32
      %get3A_657 = tpu.memref_slice %arg4[%scan3A, %get3A_656] : memref<2x32768xf32, #tpu.memory_space<vmem>> -> memref<1x32768xf32, #tpu.memory_space<vmem>>
      %get3A_658 = tpu.memref_squeeze %get3A_657 : memref<1x32768xf32, #tpu.memory_space<vmem>> -> memref<32768xf32, #tpu.memory_space<vmem>>
      %get3A_659 = arith.index_cast %add3A_655 : i32 to index
      %get3A_660 = tpu.vector_load %get3A_658[%get3A_659] {strides = array<i32>} : memref<32768xf32, #tpu.memory_space<vmem>>, vector<16xf32>,
      %get3A_661 = vector.shape_cast %get3A_660 : vector<16xf32> to vector<16xf32>
      %gt3A_662 = arith.cmpf ogt, %get3A_661, %scan3A_628 : vector<16xf32>
      %select_n3A_663 = arith.select %gt3A_662, %get3A_661, %scan3A_628 : vector<16xi1>, vector<16xf32>
      %select_n3A_664 = arith.select %gt3A_662, %broadcast_in_dim3A_639, %scan3A_632 : vector<16xi1>, vector<16xi32>
      %add3A_665 = arith.constant 32 : i32
      %add3A_666 = arith.addi %add3A_643, %add3A_665 : i32
      %get3A_667 = arith.constant 0 : i32
      %get3A_668 = tpu.memref_slice %arg4[%scan3A, %get3A_667] : memref<2x32768xf32, #tpu.memory_space<vmem>> -> memref<1x32768xf32, #tpu.memory_space<vmem>>
      %get3A_669 = tpu.memref_squeeze %get3A_668 : memref<1x32768xf32, #tpu.memory_space<vmem>> -> memref<32768xf32, #tpu.memory_space<vmem>>
      %get3A_670 = arith.index_cast %add3A_666 : i32 to index
      %get3A_671 = tpu.vector_load %get3A_669[%get3A_670] {strides = array<i32>} : memref<32768xf32, #tpu.memory_space<vmem>>, vector<16xf32>,
      %get3A_672 = vector.shape_cast %get3A_671 : vector<16xf32> to vector<16xf32>
      %gt3A_673 = arith.cmpf ogt, %get3A_672, %scan3A_629 : vector<16xf32>
      %select_n3A_674 = arith.select %gt3A_673, %get3A_672, %scan3A_629 : vector<16xi1>, vector<16xf32>
      %select_n3A_675 = arith.select %gt3A_673, %broadcast_in_dim3A_639, %scan3A_633 : vector<16xi1>, vector<16xi32>
      %add3A_676 = arith.constant 48 : i32
      %add3A_677 = arith.addi %add3A_643, %add3A_676 : i32
      %get3A_678 = arith.constant 0 : i32
      %get3A_679 = tpu.memref_slice %arg4[%scan3A, %get3A_678] : memref<2x32768xf32, #tpu.memory_space<vmem>> -> memref<1x32768xf32, #tpu.memory_space<vmem>>
      %get3A_680 = tpu.memref_squeeze %get3A_679 : memref<1x32768xf32, #tpu.memory_space<vmem>> -> memref<32768xf32, #tpu.memory_space<vmem>>
      %get3A_681 = arith.index_cast %add3A_677 : i32 to index
      %get3A_682 = tpu.vector_load %get3A_680[%get3A_681] {strides = array<i32>} : memref<32768xf32, #tpu.memory_space<vmem>>, vector<16xf32>,
      %get3A_683 = vector.shape_cast %get3A_682 : vector<16xf32> to vector<16xf32>
      %gt3A_684 = arith.cmpf ogt, %get3A_683, %scan3A_630 : vector<16xf32>
      %select_n3A_685 = arith.select %gt3A_684, %get3A_683, %scan3A_630 : vector<16xi1>, vector<16xf32>
      %select_n3A_686 = arith.select %gt3A_684, %broadcast_in_dim3A_639, %scan3A_634 : vector<16xi1>, vector<16xi32>
      %mul3A_687 = arith.constant 2 : i32
      %mul3A_688 = arith.muli %scan3A_626, %mul3A_687 : i32
      %add3A_689 = arith.constant 1 : i32
      %add3A_690 = arith.addi %mul3A_688, %add3A_689 : i32
      %broadcast_in_dim3A_691 = vector.broadcast %add3A_690 : i32 to vector<16xi32>
      %mul3A_692 = arith.constant 64 : i32
      %mul3A_693 = arith.muli %add3A_690, %mul3A_692 : i32
      %add3A_694 = arith.constant 0 : i32
      %add3A_695 = arith.addi %add3A_694, %mul3A_693 : i32
      %add3A_696 = arith.constant 0 : i32
      %add3A_697 = arith.addi %add3A_695, %add3A_696 : i32
      %get3A_698 = arith.constant 0 : i32
      %get3A_699 = tpu.memref_slice %arg4[%scan3A, %get3A_698] : memref<2x32768xf32, #tpu.memory_space<vmem>> -> memref<1x32768xf32, #tpu.memory_space<vmem>>
      %get3A_700 = tpu.memref_squeeze %get3A_699 : memref<1x32768xf32, #tpu.memory_space<vmem>> -> memref<32768xf32, #tpu.memory_space<vmem>>
      %get3A_701 = arith.index_cast %add3A_697 : i32 to index
      %get3A_702 = tpu.vector_load %get3A_700[%get3A_701] {strides = array<i32>} : memref<32768xf32, #tpu.memory_space<vmem>>, vector<16xf32>,
      %get3A_703 = vector.shape_cast %get3A_702 : vector<16xf32> to vector<16xf32>
      %gt3A_704 = arith.cmpf ogt, %get3A_703, %select_n3A_652 : vector<16xf32>
      %select_n3A_705 = arith.select %gt3A_704, %get3A_703, %select_n3A_652 : vector<16xi1>, vector<16xf32>
      %select_n3A_706 = arith.select %gt3A_704, %broadcast_in_dim3A_691, %select_n3A_653 : vector<16xi1>, vector<16xi32>
      %add3A_707 = arith.constant 16 : i32
      %add3A_708 = arith.addi %add3A_695, %add3A_707 : i32
      %get3A_709 = arith.constant 0 : i32
      %get3A_710 = tpu.memref_slice %arg4[%scan3A, %get3A_709] : memref<2x32768xf32, #tpu.memory_space<vmem>> -> memref<1x32768xf32, #tpu.memory_space<vmem>>
      %get3A_711 = tpu.memref_squeeze %get3A_710 : memref<1x32768xf32, #tpu.memory_space<vmem>> -> memref<32768xf32, #tpu.memory_space<vmem>>
      %get3A_712 = arith.index_cast %add3A_708 : i32 to index
      %get3A_713 = tpu.vector_load %get3A_711[%get3A_712] {strides = array<i32>} : memref<32768xf32, #tpu.memory_space<vmem>>, vector<16xf32>,
      %get3A_714 = vector.shape_cast %get3A_713 : vector<16xf32> to vector<16xf32>
      %gt3A_715 = arith.cmpf ogt, %get3A_714, %select_n3A_663 : vector<16xf32>
      %select_n3A_716 = arith.select %gt3A_715, %get3A_714, %select_n3A_663 : vector<16xi1>, vector<16xf32>
      %select_n3A_717 = arith.select %gt3A_715, %broadcast_in_dim3A_691, %select_n3A_664 : vector<16xi1>, vector<16xi32>
      %add3A_718 = arith.constant 32 : i32
      %add3A_719 = arith.addi %add3A_695, %add3A_718 : i32
      %get3A_720 = arith.constant 0 : i32
      %get3A_721 = tpu.memref_slice %arg4[%scan3A, %get3A_720] : memref<2x32768xf32, #tpu.memory_space<vmem>> -> memref<1x32768xf32, #tpu.memory_space<vmem>>
      %get3A_722 = tpu.memref_squeeze %get3A_721 : memref<1x32768xf32, #tpu.memory_space<vmem>> -> memref<32768xf32, #tpu.memory_space<vmem>>
      %get3A_723 = arith.index_cast %add3A_719 : i32 to index
      %get3A_724 = tpu.vector_load %get3A_722[%get3A_723] {strides = array<i32>} : memref<32768xf32, #tpu.memory_space<vmem>>, vector<16xf32>,
      %get3A_725 = vector.shape_cast %get3A_724 : vector<16xf32> to vector<16xf32>
      %gt3A_726 = arith.cmpf ogt, %get3A_725, %select_n3A_674 : vector<16xf32>
      %select_n3A_727 = arith.select %gt3A_726, %get3A_725, %select_n3A_674 : vector<16xi1>, vector<16xf32>
      %select_n3A_728 = arith.select %gt3A_726, %broadcast_in_dim3A_691, %select_n3A_675 : vector<16xi1>, vector<16xi32>
      %add3A_729 = arith.constant 48 : i32
      %add3A_730 = arith.addi %add3A_695, %add3A_729 : i32
      %get3A_731 = arith.constant 0 : i32
      %get3A_732 = tpu.memref_slice %arg4[%scan3A, %get3A_731] : memref<2x32768xf32, #tpu.memory_space<vmem>> -> memref<1x32768xf32, #tpu.memory_space<vmem>>
      %get3A_733 = tpu.memref_squeeze %get3A_732 : memref<1x32768xf32, #tpu.memory_space<vmem>> -> memref<32768xf32, #tpu.memory_space<vmem>>
      %get3A_734 = arith.index_cast %add3A_730 : i32 to index
      %get3A_735 = tpu.vector_load %get3A_733[%get3A_734] {strides = array<i32>} : memref<32768xf32, #tpu.memory_space<vmem>>, vector<16xf32>,
      %get3A_736 = vector.shape_cast %get3A_735 : vector<16xf32> to vector<16xf32>
      %gt3A_737 = arith.cmpf ogt, %get3A_736, %select_n3A_685 : vector<16xf32>
      %select_n3A_738 = arith.select %gt3A_737, %get3A_736, %select_n3A_685 : vector<16xi1>, vector<16xf32>
      %select_n3A_739 = arith.select %gt3A_737, %broadcast_in_dim3A_691, %select_n3A_686 : vector<16xi1>, vector<16xi32>
      scf.yield %select_n3A_705, %select_n3A_716, %select_n3A_727, %select_n3A_738, %select_n3A_706, %select_n3A_717, %select_n3A_728, %select_n3A_739 : vector<16xf32>, vector<16xf32>, vector<16xf32>, vector<16xf32>, vector<16xi32>, vector<16xi32>, vector<16xi32>, vector<16xi32>
    }
    %scan3A_89 = arith.constant 128 : i32
    %mul3A_90 = arith.constant 64 : i32
    %mul3A_91 = vector.broadcast %mul3A_90 : i32 to vector<16xi32>
    %mul3A_92 = arith.muli %scan3A_88#4, %mul3A_91 : vector<16xi32>
    %add3A_93 = arith.constant 0 : i32
    %add3A_94 = vector.broadcast %add3A_93 : i32 to vector<16xi32>
    %add3A_95 = arith.addi %mul3A_92, %add3A_94 : vector<16xi32>
    %add3A_96 = arith.addi %add3A_95, %iota3A_79 : vector<16xi32>
    %mul3A_97 = arith.constant 64 : i32
    %mul3A_98 = vector.broadcast %mul3A_97 : i32 to vector<16xi32>
    %mul3A_99 = arith.muli %scan3A_88#5, %mul3A_98 : vector<16xi32>
    %add3A_100 = arith.constant 16 : i32
    %add3A_101 = vector.broadcast %add3A_100 : i32 to vector<16xi32>
    %add3A_102 = arith.addi %mul3A_99, %add3A_101 : vector<16xi32>
    %add3A_103 = arith.addi %add3A_102, %iota3A_79 : vector<16xi32>
    %mul3A_104 = arith.constant 64 : i32
    %mul3A_105 = vector.broadcast %mul3A_104 : i32 to vector<16xi32>
    %mul3A_106 = arith.muli %scan3A_88#6, %mul3A_105 : vector<16xi32>
    %add3A_107 = arith.constant 32 : i32
    %add3A_108 = vector.broadcast %add3A_107 : i32 to vector<16xi32>
    %add3A_109 = arith.addi %mul3A_106, %add3A_108 : vector<16xi32>
    %add3A_110 = arith.addi %add3A_109, %iota3A_79 : vector<16xi32>
    %mul3A_111 = arith.constant 64 : i32
    %mul3A_112 = vector.broadcast %mul3A_111 : i32 to vector<16xi32>
    %mul3A_113 = arith.muli %scan3A_88#7, %mul3A_112 : vector<16xi32>
    %add3A_114 = arith.constant 48 : i32
    %add3A_115 = vector.broadcast %add3A_114 : i32 to vector<16xi32>
    %add3A_116 = arith.addi %mul3A_113, %add3A_115 : vector<16xi32>
    %add3A_117 = arith.addi %add3A_116, %iota3A_79 : vector<16xi32>
    %gt3A = arith.cmpf ogt, %scan3A_88#1, %scan3A_88#0 : vector<16xf32>
    %eq3A = arith.cmpf oeq, %scan3A_88#1, %scan3A_88#0 : vector<16xf32>
    %lt3A = arith.cmpi slt, %add3A_103, %add3A_96 : vector<16xi32>
    %and3A = arith.andi %eq3A, %lt3A : vector<16xi1>
    %or3A = arith.ori %gt3A, %and3A : vector<16xi1>
    %select_n3A = arith.select %or3A, %scan3A_88#1, %scan3A_88#0 : vector<16xi1>, vector<16xf32>
    %select_n3A_118 = arith.select %or3A, %add3A_103, %add3A_96 : vector<16xi1>, vector<16xi32>
    %gt3A_119 = arith.cmpf ogt, %scan3A_88#3, %scan3A_88#2 : vector<16xf32>
    %eq3A_120 = arith.cmpf oeq, %scan3A_88#3, %scan3A_88#2 : vector<16xf32>
    %lt3A_121 = arith.cmpi slt, %add3A_117, %add3A_110 : vector<16xi32>
    %and3A_122 = arith.andi %eq3A_120, %lt3A_121 : vector<16xi1>
    %or3A_123 = arith.ori %gt3A_119, %and3A_122 : vector<16xi1>
    %select_n3A_124 = arith.select %or3A_123, %scan3A_88#3, %scan3A_88#2 : vector<16xi1>, vector<16xf32>
    %select_n3A_125 = arith.select %or3A_123, %add3A_117, %add3A_110 : vector<16xi1>, vector<16xi32>
    %gt3A_126 = arith.cmpf ogt, %select_n3A_124, %select_n3A : vector<16xf32>
    %eq3A_127 = arith.cmpf oeq, %select_n3A_124, %select_n3A : vector<16xf32>
    %lt3A_128 = arith.cmpi slt, %select_n3A_125, %select_n3A_118 : vector<16xi32>
    %and3A_129 = arith.andi %eq3A_127, %lt3A_128 : vector<16xi1>
    %or3A_130 = arith.ori %gt3A_126, %and3A_129 : vector<16xi1>
    %select_n3A_131 = arith.select %or3A_130, %select_n3A_124, %select_n3A : vector<16xi1>, vector<16xf32>
    %select_n3A_132 = arith.select %or3A_130, %select_n3A_125, %select_n3A_118 : vector<16xi1>, vector<16xi32>
    %add3A_133 = arith.constant 0 : i32
    %add3A_134 = arith.addi %add3A_4, %add3A_133 : i32
    %dma_wait3A_135 = arith.constant 0 : i32
    %dma_wait3A_136 = arith.constant 16384 : i32
    %dma_wait3A_137 = tpu.memref_slice %arg4[%dma_wait3A_135, %dma_wait3A_136] : memref<2x32768xf32, #tpu.memory_space<vmem>> -> memref<1x16384xf32, #tpu.memory_space<vmem>>
    %dma_wait3A_138 = tpu.memref_squeeze %dma_wait3A_137 : memref<1x16384xf32, #tpu.memory_space<vmem>> -> memref<16384xf32, #tpu.memory_space<vmem>>
    %dma_wait3A_139 = arith.constant 16384 : i32
    %dma_wait3A_140 = tpu.memref_slice %arg2[%add3A_134, %dma_wait3A_139] : memref<128x32768xf32, #tpu.memory_space<hbm>> -> memref<1x16384xf32, #tpu.memory_space<hbm>>
    %dma_wait3A_141 = tpu.memref_squeeze %dma_wait3A_140 : memref<1x16384xf32, #tpu.memory_space<hbm>> -> memref<16384xf32, #tpu.memory_space<hbm>>
    %dma_wait3A_142 = arith.constant 16384 : i32
    %dma_wait3A_143 = tpu.memref_slice %arg4[%dma_wait3A_135, %dma_wait3A_142] : memref<2x32768xf32, #tpu.memory_space<vmem>> -> memref<1x16384xf32, #tpu.memory_space<vmem>>
    %dma_wait3A_144 = tpu.memref_squeeze %dma_wait3A_143 : memref<1x16384xf32, #tpu.memory_space<vmem>> -> memref<16384xf32, #tpu.memory_space<vmem>>
    %dma_wait3A_145 = arith.constant 16384 : i32
    %dma_wait3A_146 = tpu.memref_slice %arg2[%add3A_134, %dma_wait3A_145] : memref<128x32768xf32, #tpu.memory_space<hbm>> -> memref<1x16384xf32, #tpu.memory_space<hbm>>
    %dma_wait3A_147 = tpu.memref_squeeze %dma_wait3A_146 : memref<1x16384xf32, #tpu.memory_space<hbm>> -> memref<16384xf32, #tpu.memory_space<hbm>>
    tpu.wait_dma2 semaphore(%arg7 : memref<!tpu.dma_semaphore, #tpu.memory_space<semaphore_mem>>) src(%dma_wait3A_147 : memref<16384xf32, #tpu.memory_space<hbm>>) dst(%dma_wait3A_144 : memref<16384xf32, #tpu.memory_space<vmem>>)
    %iota3A_148 = tpu.iota {dimensions = array<i32: 0>} : vector<16xi32>
    %broadcast_in_dim3A_149 = arith.constant 0xFF800000 : f32
    %broadcast_in_dim3A_150 = vector.broadcast %broadcast_in_dim3A_149 : f32 to vector<16xf32>
    %broadcast_in_dim3A_151 = arith.constant 0 : i32
    %broadcast_in_dim3A_152 = vector.broadcast %broadcast_in_dim3A_151 : i32 to vector<16xi32>
    %scan3A_153 = arith.constant 0 : i32
    %scan3A_154 = arith.constant 0 : i32
    %scan3A_155 = arith.constant 128 : i32
    %scan3A_156 = arith.addi %scan3A_154, %scan3A_155 : i32
    %scan3A_157 = arith.constant 1 : i32
    %scan3A_158:8 = scf.for %scan3A_626 = %scan3A_154 to %scan3A_156 step %scan3A_157 iter_args(%scan3A_627 = %broadcast_in_dim3A_150, %scan3A_628 = %broadcast_in_dim3A_150, %scan3A_629 = %broadcast_in_dim3A_150, %scan3A_630 = %broadcast_in_dim3A_150, %scan3A_631 = %broadcast_in_dim3A_152, %scan3A_632 = %broadcast_in_dim3A_152, %scan3A_633 = %broadcast_in_dim3A_152, %scan3A_634 = %broadcast_in_dim3A_152) -> (vector<16xf32>, vector<16xf32>, vector<16xf32>, vector<16xf32>, vector<16xi32>, vector<16xi32>, vector<16xi32>, vector<16xi32>)  : i32 {
      %mul3A_635 = arith.constant 2 : i32
      %mul3A_636 = arith.muli %scan3A_626, %mul3A_635 : i32
      %add3A_637 = arith.constant 0 : i32
      %add3A_638 = arith.addi %mul3A_636, %add3A_637 : i32
      %broadcast_in_dim3A_639 = vector.broadcast %add3A_638 : i32 to vector<16xi32>
      %mul3A_640 = arith.constant 64 : i32
      %mul3A_641 = arith.muli %add3A_638, %mul3A_640 : i32
      %add3A_642 = arith.constant 16384 : i32
      %add3A_643 = arith.addi %add3A_642, %mul3A_641 : i32
      %add3A_644 = arith.constant 0 : i32
      %add3A_645 = arith.addi %add3A_643, %add3A_644 : i32
      %get3A = arith.constant 0 : i32
      %get3A_646 = tpu.memref_slice %arg4[%scan3A_153, %get3A] : memref<2x32768xf32, #tpu.memory_space<vmem>> -> memref<1x32768xf32, #tpu.memory_space<vmem>>
      %get3A_647 = tpu.memref_squeeze %get3A_646 : memref<1x32768xf32, #tpu.memory_space<vmem>> -> memref<32768xf32, #tpu.memory_space<vmem>>
      %get3A_648 = arith.index_cast %add3A_645 : i32 to index
      %get3A_649 = tpu.vector_load %get3A_647[%get3A_648] {strides = array<i32>} : memref<32768xf32, #tpu.memory_space<vmem>>, vector<16xf32>,
      %get3A_650 = vector.shape_cast %get3A_649 : vector<16xf32> to vector<16xf32>
      %gt3A_651 = arith.cmpf ogt, %get3A_650, %scan3A_627 : vector<16xf32>
      %select_n3A_652 = arith.select %gt3A_651, %get3A_650, %scan3A_627 : vector<16xi1>, vector<16xf32>
      %select_n3A_653 = arith.select %gt3A_651, %broadcast_in_dim3A_639, %scan3A_631 : vector<16xi1>, vector<16xi32>
      %add3A_654 = arith.constant 16 : i32
      %add3A_655 = arith.addi %add3A_643, %add3A_654 : i32
      %get3A_656 = arith.constant 0 : i32
      %get3A_657 = tpu.memref_slice %arg4[%scan3A_153, %get3A_656] : memref<2x32768xf32, #tpu.memory_space<vmem>> -> memref<1x32768xf32, #tpu.memory_space<vmem>>
      %get3A_658 = tpu.memref_squeeze %get3A_657 : memref<1x32768xf32, #tpu.memory_space<vmem>> -> memref<32768xf32, #tpu.memory_space<vmem>>
      %get3A_659 = arith.index_cast %add3A_655 : i32 to index
      %get3A_660 = tpu.vector_load %get3A_658[%get3A_659] {strides = array<i32>} : memref<32768xf32, #tpu.memory_space<vmem>>, vector<16xf32>,
      %get3A_661 = vector.shape_cast %get3A_660 : vector<16xf32> to vector<16xf32>
      %gt3A_662 = arith.cmpf ogt, %get3A_661, %scan3A_628 : vector<16xf32>
      %select_n3A_663 = arith.select %gt3A_662, %get3A_661, %scan3A_628 : vector<16xi1>, vector<16xf32>
      %select_n3A_664 = arith.select %gt3A_662, %broadcast_in_dim3A_639, %scan3A_632 : vector<16xi1>, vector<16xi32>
      %add3A_665 = arith.constant 32 : i32
      %add3A_666 = arith.addi %add3A_643, %add3A_665 : i32
      %get3A_667 = arith.constant 0 : i32
      %get3A_668 = tpu.memref_slice %arg4[%scan3A_153, %get3A_667] : memref<2x32768xf32, #tpu.memory_space<vmem>> -> memref<1x32768xf32, #tpu.memory_space<vmem>>
      %get3A_669 = tpu.memref_squeeze %get3A_668 : memref<1x32768xf32, #tpu.memory_space<vmem>> -> memref<32768xf32, #tpu.memory_space<vmem>>
      %get3A_670 = arith.index_cast %add3A_666 : i32 to index
      %get3A_671 = tpu.vector_load %get3A_669[%get3A_670] {strides = array<i32>} : memref<32768xf32, #tpu.memory_space<vmem>>, vector<16xf32>,
      %get3A_672 = vector.shape_cast %get3A_671 : vector<16xf32> to vector<16xf32>
      %gt3A_673 = arith.cmpf ogt, %get3A_672, %scan3A_629 : vector<16xf32>
      %select_n3A_674 = arith.select %gt3A_673, %get3A_672, %scan3A_629 : vector<16xi1>, vector<16xf32>
      %select_n3A_675 = arith.select %gt3A_673, %broadcast_in_dim3A_639, %scan3A_633 : vector<16xi1>, vector<16xi32>
      %add3A_676 = arith.constant 48 : i32
      %add3A_677 = arith.addi %add3A_643, %add3A_676 : i32
      %get3A_678 = arith.constant 0 : i32
      %get3A_679 = tpu.memref_slice %arg4[%scan3A_153, %get3A_678] : memref<2x32768xf32, #tpu.memory_space<vmem>> -> memref<1x32768xf32, #tpu.memory_space<vmem>>
      %get3A_680 = tpu.memref_squeeze %get3A_679 : memref<1x32768xf32, #tpu.memory_space<vmem>> -> memref<32768xf32, #tpu.memory_space<vmem>>
      %get3A_681 = arith.index_cast %add3A_677 : i32 to index
      %get3A_682 = tpu.vector_load %get3A_680[%get3A_681] {strides = array<i32>} : memref<32768xf32, #tpu.memory_space<vmem>>, vector<16xf32>,
      %get3A_683 = vector.shape_cast %get3A_682 : vector<16xf32> to vector<16xf32>
      %gt3A_684 = arith.cmpf ogt, %get3A_683, %scan3A_630 : vector<16xf32>
      %select_n3A_685 = arith.select %gt3A_684, %get3A_683, %scan3A_630 : vector<16xi1>, vector<16xf32>
      %select_n3A_686 = arith.select %gt3A_684, %broadcast_in_dim3A_639, %scan3A_634 : vector<16xi1>, vector<16xi32>
      %mul3A_687 = arith.constant 2 : i32
      %mul3A_688 = arith.muli %scan3A_626, %mul3A_687 : i32
      %add3A_689 = arith.constant 1 : i32
      %add3A_690 = arith.addi %mul3A_688, %add3A_689 : i32
      %broadcast_in_dim3A_691 = vector.broadcast %add3A_690 : i32 to vector<16xi32>
      %mul3A_692 = arith.constant 64 : i32
      %mul3A_693 = arith.muli %add3A_690, %mul3A_692 : i32
      %add3A_694 = arith.constant 16384 : i32
      %add3A_695 = arith.addi %add3A_694, %mul3A_693 : i32
      %add3A_696 = arith.constant 0 : i32
      %add3A_697 = arith.addi %add3A_695, %add3A_696 : i32
      %get3A_698 = arith.constant 0 : i32
      %get3A_699 = tpu.memref_slice %arg4[%scan3A_153, %get3A_698] : memref<2x32768xf32, #tpu.memory_space<vmem>> -> memref<1x32768xf32, #tpu.memory_space<vmem>>
      %get3A_700 = tpu.memref_squeeze %get3A_699 : memref<1x32768xf32, #tpu.memory_space<vmem>> -> memref<32768xf32, #tpu.memory_space<vmem>>
      %get3A_701 = arith.index_cast %add3A_697 : i32 to index
      %get3A_702 = tpu.vector_load %get3A_700[%get3A_701] {strides = array<i32>} : memref<32768xf32, #tpu.memory_space<vmem>>, vector<16xf32>,
      %get3A_703 = vector.shape_cast %get3A_702 : vector<16xf32> to vector<16xf32>
      %gt3A_704 = arith.cmpf ogt, %get3A_703, %select_n3A_652 : vector<16xf32>
      %select_n3A_705 = arith.select %gt3A_704, %get3A_703, %select_n3A_652 : vector<16xi1>, vector<16xf32>
      %select_n3A_706 = arith.select %gt3A_704, %broadcast_in_dim3A_691, %select_n3A_653 : vector<16xi1>, vector<16xi32>
      %add3A_707 = arith.constant 16 : i32
      %add3A_708 = arith.addi %add3A_695, %add3A_707 : i32
      %get3A_709 = arith.constant 0 : i32
      %get3A_710 = tpu.memref_slice %arg4[%scan3A_153, %get3A_709] : memref<2x32768xf32, #tpu.memory_space<vmem>> -> memref<1x32768xf32, #tpu.memory_space<vmem>>
      %get3A_711 = tpu.memref_squeeze %get3A_710 : memref<1x32768xf32, #tpu.memory_space<vmem>> -> memref<32768xf32, #tpu.memory_space<vmem>>
      %get3A_712 = arith.index_cast %add3A_708 : i32 to index
      %get3A_713 = tpu.vector_load %get3A_711[%get3A_712] {strides = array<i32>} : memref<32768xf32, #tpu.memory_space<vmem>>, vector<16xf32>,
      %get3A_714 = vector.shape_cast %get3A_713 : vector<16xf32> to vector<16xf32>
      %gt3A_715 = arith.cmpf ogt, %get3A_714, %select_n3A_663 : vector<16xf32>
      %select_n3A_716 = arith.select %gt3A_715, %get3A_714, %select_n3A_663 : vector<16xi1>, vector<16xf32>
      %select_n3A_717 = arith.select %gt3A_715, %broadcast_in_dim3A_691, %select_n3A_664 : vector<16xi1>, vector<16xi32>
      %add3A_718 = arith.constant 32 : i32
      %add3A_719 = arith.addi %add3A_695, %add3A_718 : i32
      %get3A_720 = arith.constant 0 : i32
      %get3A_721 = tpu.memref_slice %arg4[%scan3A_153, %get3A_720] : memref<2x32768xf32, #tpu.memory_space<vmem>> -> memref<1x32768xf32, #tpu.memory_space<vmem>>
      %get3A_722 = tpu.memref_squeeze %get3A_721 : memref<1x32768xf32, #tpu.memory_space<vmem>> -> memref<32768xf32, #tpu.memory_space<vmem>>
      %get3A_723 = arith.index_cast %add3A_719 : i32 to index
      %get3A_724 = tpu.vector_load %get3A_722[%get3A_723] {strides = array<i32>} : memref<32768xf32, #tpu.memory_space<vmem>>, vector<16xf32>,
      %get3A_725 = vector.shape_cast %get3A_724 : vector<16xf32> to vector<16xf32>
      %gt3A_726 = arith.cmpf ogt, %get3A_725, %select_n3A_674 : vector<16xf32>
      %select_n3A_727 = arith.select %gt3A_726, %get3A_725, %select_n3A_674 : vector<16xi1>, vector<16xf32>
      %select_n3A_728 = arith.select %gt3A_726, %broadcast_in_dim3A_691, %select_n3A_675 : vector<16xi1>, vector<16xi32>
      %add3A_729 = arith.constant 48 : i32
      %add3A_730 = arith.addi %add3A_695, %add3A_729 : i32
      %get3A_731 = arith.constant 0 : i32
      %get3A_732 = tpu.memref_slice %arg4[%scan3A_153, %get3A_731] : memref<2x32768xf32, #tpu.memory_space<vmem>> -> memref<1x32768xf32, #tpu.memory_space<vmem>>
      %get3A_733 = tpu.memref_squeeze %get3A_732 : memref<1x32768xf32, #tpu.memory_space<vmem>> -> memref<32768xf32, #tpu.memory_space<vmem>>
      %get3A_734 = arith.index_cast %add3A_730 : i32 to index
      %get3A_735 = tpu.vector_load %get3A_733[%get3A_734] {strides = array<i32>} : memref<32768xf32, #tpu.memory_space<vmem>>, vector<16xf32>,
      %get3A_736 = vector.shape_cast %get3A_735 : vector<16xf32> to vector<16xf32>
      %gt3A_737 = arith.cmpf ogt, %get3A_736, %select_n3A_685 : vector<16xf32>
      %select_n3A_738 = arith.select %gt3A_737, %get3A_736, %select_n3A_685 : vector<16xi1>, vector<16xf32>
      %select_n3A_739 = arith.select %gt3A_737, %broadcast_in_dim3A_691, %select_n3A_686 : vector<16xi1>, vector<16xi32>
      scf.yield %select_n3A_705, %select_n3A_716, %select_n3A_727, %select_n3A_738, %select_n3A_706, %select_n3A_717, %select_n3A_728, %select_n3A_739 : vector<16xf32>, vector<16xf32>, vector<16xf32>, vector<16xf32>, vector<16xi32>, vector<16xi32>, vector<16xi32>, vector<16xi32>
    }
    %scan3A_159 = arith.constant 128 : i32
    %mul3A_160 = arith.constant 64 : i32
    %mul3A_161 = vector.broadcast %mul3A_160 : i32 to vector<16xi32>
    %mul3A_162 = arith.muli %scan3A_158#4, %mul3A_161 : vector<16xi32>
    %add3A_163 = arith.constant 16384 : i32
    %add3A_164 = vector.broadcast %add3A_163 : i32 to vector<16xi32>
    %add3A_165 = arith.addi %mul3A_162, %add3A_164 : vector<16xi32>
    %add3A_166 = arith.addi %add3A_165, %iota3A_148 : vector<16xi32>
    %mul3A_167 = arith.constant 64 : i32
    %mul3A_168 = vector.broadcast %mul3A_167 : i32 to vector<16xi32>
    %mul3A_169 = arith.muli %scan3A_158#5, %mul3A_168 : vector<16xi32>
    %add3A_170 = arith.constant 16400 : i32
    %add3A_171 = vector.broadcast %add3A_170 : i32 to vector<16xi32>
    %add3A_172 = arith.addi %mul3A_169, %add3A_171 : vector<16xi32>
    %add3A_173 = arith.addi %add3A_172, %iota3A_148 : vector<16xi32>
    %mul3A_174 = arith.constant 64 : i32
    %mul3A_175 = vector.broadcast %mul3A_174 : i32 to vector<16xi32>
    %mul3A_176 = arith.muli %scan3A_158#6, %mul3A_175 : vector<16xi32>
    %add3A_177 = arith.constant 16416 : i32
    %add3A_178 = vector.broadcast %add3A_177 : i32 to vector<16xi32>
    %add3A_179 = arith.addi %mul3A_176, %add3A_178 : vector<16xi32>
    %add3A_180 = arith.addi %add3A_179, %iota3A_148 : vector<16xi32>
    %mul3A_181 = arith.constant 64 : i32
    %mul3A_182 = vector.broadcast %mul3A_181 : i32 to vector<16xi32>
    %mul3A_183 = arith.muli %scan3A_158#7, %mul3A_182 : vector<16xi32>
    %add3A_184 = arith.constant 16432 : i32
    %add3A_185 = vector.broadcast %add3A_184 : i32 to vector<16xi32>
    %add3A_186 = arith.addi %mul3A_183, %add3A_185 : vector<16xi32>
    %add3A_187 = arith.addi %add3A_186, %iota3A_148 : vector<16xi32>
    %gt3A_188 = arith.cmpf ogt, %scan3A_158#1, %scan3A_158#0 : vector<16xf32>
    %eq3A_189 = arith.cmpf oeq, %scan3A_158#1, %scan3A_158#0 : vector<16xf32>
    %lt3A_190 = arith.cmpi slt, %add3A_173, %add3A_166 : vector<16xi32>
    %and3A_191 = arith.andi %eq3A_189, %lt3A_190 : vector<16xi1>
    %or3A_192 = arith.ori %gt3A_188, %and3A_191 : vector<16xi1>
    %select_n3A_193 = arith.select %or3A_192, %scan3A_158#1, %scan3A_158#0 : vector<16xi1>, vector<16xf32>
    %select_n3A_194 = arith.select %or3A_192, %add3A_173, %add3A_166 : vector<16xi1>, vector<16xi32>
    %gt3A_195 = arith.cmpf ogt, %scan3A_158#3, %scan3A_158#2 : vector<16xf32>
    %eq3A_196 = arith.cmpf oeq, %scan3A_158#3, %scan3A_158#2 : vector<16xf32>
    %lt3A_197 = arith.cmpi slt, %add3A_187, %add3A_180 : vector<16xi32>
    %and3A_198 = arith.andi %eq3A_196, %lt3A_197 : vector<16xi1>
    %or3A_199 = arith.ori %gt3A_195, %and3A_198 : vector<16xi1>
    %select_n3A_200 = arith.select %or3A_199, %scan3A_158#3, %scan3A_158#2 : vector<16xi1>, vector<16xf32>
    %select_n3A_201 = arith.select %or3A_199, %add3A_187, %add3A_180 : vector<16xi1>, vector<16xi32>
    %gt3A_202 = arith.cmpf ogt, %select_n3A_200, %select_n3A_193 : vector<16xf32>
    %eq3A_203 = arith.cmpf oeq, %select_n3A_200, %select_n3A_193 : vector<16xf32>
    %lt3A_204 = arith.cmpi slt, %select_n3A_201, %select_n3A_194 : vector<16xi32>
    %and3A_205 = arith.andi %eq3A_203, %lt3A_204 : vector<16xi1>
    %or3A_206 = arith.ori %gt3A_202, %and3A_205 : vector<16xi1>
    %select_n3A_207 = arith.select %or3A_206, %select_n3A_200, %select_n3A_193 : vector<16xi1>, vector<16xf32>
    %select_n3A_208 = arith.select %or3A_206, %select_n3A_201, %select_n3A_194 : vector<16xi1>, vector<16xi32>
    %gt3A_209 = arith.cmpf ogt, %select_n3A_207, %select_n3A_131 : vector<16xf32>
    %eq3A_210 = arith.cmpf oeq, %select_n3A_207, %select_n3A_131 : vector<16xf32>
    %lt3A_211 = arith.cmpi slt, %select_n3A_208, %select_n3A_132 : vector<16xi32>
    %and3A_212 = arith.andi %eq3A_210, %lt3A_211 : vector<16xi1>
    %or3A_213 = arith.ori %gt3A_209, %and3A_212 : vector<16xi1>
    %select_n3A_214 = arith.select %or3A_213, %select_n3A_207, %select_n3A_131 : vector<16xi1>, vector<16xf32>
    %select_n3A_215 = arith.select %or3A_213, %select_n3A_208, %select_n3A_132 : vector<16xi1>, vector<16xi32>
    %iota3A_216 = tpu.iota {dimensions = array<i32: 0>} : vector<16xi32>
    %xor3A = arith.constant 8 : i32
    %xor3A_217 = vector.broadcast %xor3A : i32 to vector<16xi32>
    %xor3A_218 = arith.xori %iota3A_216, %xor3A_217 : vector<16xi32>
    %lt3A_219 = arith.constant 0 : i32
    %lt3A_220 = vector.broadcast %lt3A_219 : i32 to vector<16xi32>
    %lt3A_221 = arith.cmpi slt, %xor3A_218, %lt3A_220 : vector<16xi32>
    %add3A_222 = arith.constant 16 : i32
    %add3A_223 = vector.broadcast %add3A_222 : i32 to vector<16xi32>
    %add3A_224 = arith.addi %xor3A_218, %add3A_223 : vector<16xi32>
    %select_n3A_225 = arith.select %lt3A_221, %add3A_224, %xor3A_218 : vector<16xi1>, vector<16xi32>
    %broadcast_in_dim3A_226 = vector.shape_cast %select_n3A_225 : vector<16xi32> to vector<16x1xi32>
    %gather3A = vector.shape_cast %broadcast_in_dim3A_226 : vector<16x1xi32> to vector<16xi32>
    %gather3A_227 = tpu.dynamic_gather %select_n3A_214[%gather3A] in [0] : vector<16xf32>, vector<16xi32> -> vector<16xf32>
    %lt3A_228 = arith.constant 0 : i32
    %lt3A_229 = vector.broadcast %lt3A_228 : i32 to vector<16xi32>
    %lt3A_230 = arith.cmpi slt, %xor3A_218, %lt3A_229 : vector<16xi32>
    %add3A_231 = arith.constant 16 : i32
    %add3A_232 = vector.broadcast %add3A_231 : i32 to vector<16xi32>
    %add3A_233 = arith.addi %xor3A_218, %add3A_232 : vector<16xi32>
    %select_n3A_234 = arith.select %lt3A_230, %add3A_233, %xor3A_218 : vector<16xi1>, vector<16xi32>
    %broadcast_in_dim3A_235 = vector.shape_cast %select_n3A_234 : vector<16xi32> to vector<16x1xi32>
    %gather3A_236 = vector.shape_cast %broadcast_in_dim3A_235 : vector<16x1xi32> to vector<16xi32>
    %gather3A_237 = tpu.dynamic_gather %select_n3A_215[%gather3A_236] in [0] : vector<16xi32>, vector<16xi32> -> vector<16xi32>
    %gt3A_238 = arith.cmpf ogt, %gather3A_227, %select_n3A_214 : vector<16xf32>
    %eq3A_239 = arith.cmpf oeq, %gather3A_227, %select_n3A_214 : vector<16xf32>
    %lt3A_240 = arith.cmpi slt, %gather3A_237, %select_n3A_215 : vector<16xi32>
    %and3A_241 = arith.andi %eq3A_239, %lt3A_240 : vector<16xi1>
    %or3A_242 = arith.ori %gt3A_238, %and3A_241 : vector<16xi1>
    %select_n3A_243 = arith.select %or3A_242, %gather3A_227, %select_n3A_214 : vector<16xi1>, vector<16xf32>
    %select_n3A_244 = arith.select %or3A_242, %gather3A_237, %select_n3A_215 : vector<16xi1>, vector<16xi32>
    %xor3A_245 = arith.constant 4 : i32
    %xor3A_246 = vector.broadcast %xor3A_245 : i32 to vector<16xi32>
    %xor3A_247 = arith.xori %iota3A_216, %xor3A_246 : vector<16xi32>
    %lt3A_248 = arith.constant 0 : i32
    %lt3A_249 = vector.broadcast %lt3A_248 : i32 to vector<16xi32>
    %lt3A_250 = arith.cmpi slt, %xor3A_247, %lt3A_249 : vector<16xi32>
    %add3A_251 = arith.constant 16 : i32
    %add3A_252 = vector.broadcast %add3A_251 : i32 to vector<16xi32>
    %add3A_253 = arith.addi %xor3A_247, %add3A_252 : vector<16xi32>
    %select_n3A_254 = arith.select %lt3A_250, %add3A_253, %xor3A_247 : vector<16xi1>, vector<16xi32>
    %broadcast_in_dim3A_255 = vector.shape_cast %select_n3A_254 : vector<16xi32> to vector<16x1xi32>
    %gather3A_256 = vector.shape_cast %broadcast_in_dim3A_255 : vector<16x1xi32> to vector<16xi32>
    %gather3A_257 = tpu.dynamic_gather %select_n3A_243[%gather3A_256] in [0] : vector<16xf32>, vector<16xi32> -> vector<16xf32>
    %lt3A_258 = arith.constant 0 : i32
    %lt3A_259 = vector.broadcast %lt3A_258 : i32 to vector<16xi32>
    %lt3A_260 = arith.cmpi slt, %xor3A_247, %lt3A_259 : vector<16xi32>
    %add3A_261 = arith.constant 16 : i32
    %add3A_262 = vector.broadcast %add3A_261 : i32 to vector<16xi32>
    %add3A_263 = arith.addi %xor3A_247, %add3A_262 : vector<16xi32>
    %select_n3A_264 = arith.select %lt3A_260, %add3A_263, %xor3A_247 : vector<16xi1>, vector<16xi32>
    %broadcast_in_dim3A_265 = vector.shape_cast %select_n3A_264 : vector<16xi32> to vector<16x1xi32>
    %gather3A_266 = vector.shape_cast %broadcast_in_dim3A_265 : vector<16x1xi32> to vector<16xi32>
    %gather3A_267 = tpu.dynamic_gather %select_n3A_244[%gather3A_266] in [0] : vector<16xi32>, vector<16xi32> -> vector<16xi32>
    %gt3A_268 = arith.cmpf ogt, %gather3A_257, %select_n3A_243 : vector<16xf32>
    %eq3A_269 = arith.cmpf oeq, %gather3A_257, %select_n3A_243 : vector<16xf32>
    %lt3A_270 = arith.cmpi slt, %gather3A_267, %select_n3A_244 : vector<16xi32>
    %and3A_271 = arith.andi %eq3A_269, %lt3A_270 : vector<16xi1>
    %or3A_272 = arith.ori %gt3A_268, %and3A_271 : vector<16xi1>
    %select_n3A_273 = arith.select %or3A_272, %gather3A_257, %select_n3A_243 : vector<16xi1>, vector<16xf32>
    %select_n3A_274 = arith.select %or3A_272, %gather3A_267, %select_n3A_244 : vector<16xi1>, vector<16xi32>
    %xor3A_275 = arith.constant 2 : i32
    %xor3A_276 = vector.broadcast %xor3A_275 : i32 to vector<16xi32>
    %xor3A_277 = arith.xori %iota3A_216, %xor3A_276 : vector<16xi32>
    %lt3A_278 = arith.constant 0 : i32
    %lt3A_279 = vector.broadcast %lt3A_278 : i32 to vector<16xi32>
    %lt3A_280 = arith.cmpi slt, %xor3A_277, %lt3A_279 : vector<16xi32>
    %add3A_281 = arith.constant 16 : i32
    %add3A_282 = vector.broadcast %add3A_281 : i32 to vector<16xi32>
    %add3A_283 = arith.addi %xor3A_277, %add3A_282 : vector<16xi32>
    %select_n3A_284 = arith.select %lt3A_280, %add3A_283, %xor3A_277 : vector<16xi1>, vector<16xi32>
    %broadcast_in_dim3A_285 = vector.shape_cast %select_n3A_284 : vector<16xi32> to vector<16x1xi32>
    %gather3A_286 = vector.shape_cast %broadcast_in_dim3A_285 : vector<16x1xi32> to vector<16xi32>
    %gather3A_287 = tpu.dynamic_gather %select_n3A_273[%gather3A_286] in [0] : vector<16xf32>, vector<16xi32> -> vector<16xf32>
    %lt3A_288 = arith.constant 0 : i32
    %lt3A_289 = vector.broadcast %lt3A_288 : i32 to vector<16xi32>
    %lt3A_290 = arith.cmpi slt, %xor3A_277, %lt3A_289 : vector<16xi32>
    %add3A_291 = arith.constant 16 : i32
    %add3A_292 = vector.broadcast %add3A_291 : i32 to vector<16xi32>
    %add3A_293 = arith.addi %xor3A_277, %add3A_292 : vector<16xi32>
    %select_n3A_294 = arith.select %lt3A_290, %add3A_293, %xor3A_277 : vector<16xi1>, vector<16xi32>
    %broadcast_in_dim3A_295 = vector.shape_cast %select_n3A_294 : vector<16xi32> to vector<16x1xi32>
    %gather3A_296 = vector.shape_cast %broadcast_in_dim3A_295 : vector<16x1xi32> to vector<16xi32>
    %gather3A_297 = tpu.dynamic_gather %select_n3A_274[%gather3A_296] in [0] : vector<16xi32>, vector<16xi32> -> vector<16xi32>
    %gt3A_298 = arith.cmpf ogt, %gather3A_287, %select_n3A_273 : vector<16xf32>
    %eq3A_299 = arith.cmpf oeq, %gather3A_287, %select_n3A_273 : vector<16xf32>
    %lt3A_300 = arith.cmpi slt, %gather3A_297, %select_n3A_274 : vector<16xi32>
    %and3A_301 = arith.andi %eq3A_299, %lt3A_300 : vector<16xi1>
    %or3A_302 = arith.ori %gt3A_298, %and3A_301 : vector<16xi1>
    %select_n3A_303 = arith.select %or3A_302, %gather3A_287, %select_n3A_273 : vector<16xi1>, vector<16xf32>
    %select_n3A_304 = arith.select %or3A_302, %gather3A_297, %select_n3A_274 : vector<16xi1>, vector<16xi32>
    %xor3A_305 = arith.constant 1 : i32
    %xor3A_306 = vector.broadcast %xor3A_305 : i32 to vector<16xi32>
    %xor3A_307 = arith.xori %iota3A_216, %xor3A_306 : vector<16xi32>
    %lt3A_308 = arith.constant 0 : i32
    %lt3A_309 = vector.broadcast %lt3A_308 : i32 to vector<16xi32>
    %lt3A_310 = arith.cmpi slt, %xor3A_307, %lt3A_309 : vector<16xi32>
    %add3A_311 = arith.constant 16 : i32
    %add3A_312 = vector.broadcast %add3A_311 : i32 to vector<16xi32>
    %add3A_313 = arith.addi %xor3A_307, %add3A_312 : vector<16xi32>
    %select_n3A_314 = arith.select %lt3A_310, %add3A_313, %xor3A_307 : vector<16xi1>, vector<16xi32>
    %broadcast_in_dim3A_315 = vector.shape_cast %select_n3A_314 : vector<16xi32> to vector<16x1xi32>
    %gather3A_316 = vector.shape_cast %broadcast_in_dim3A_315 : vector<16x1xi32> to vector<16xi32>
    %gather3A_317 = tpu.dynamic_gather %select_n3A_303[%gather3A_316] in [0] : vector<16xf32>, vector<16xi32> -> vector<16xf32>
    %lt3A_318 = arith.constant 0 : i32
    %lt3A_319 = vector.broadcast %lt3A_318 : i32 to vector<16xi32>
    %lt3A_320 = arith.cmpi slt, %xor3A_307, %lt3A_319 : vector<16xi32>
    %add3A_321 = arith.constant 16 : i32
    %add3A_322 = vector.broadcast %add3A_321 : i32 to vector<16xi32>
    %add3A_323 = arith.addi %xor3A_307, %add3A_322 : vector<16xi32>
    %select_n3A_324 = arith.select %lt3A_320, %add3A_323, %xor3A_307 : vector<16xi1>, vector<16xi32>
    %broadcast_in_dim3A_325 = vector.shape_cast %select_n3A_324 : vector<16xi32> to vector<16x1xi32>
    %gather3A_326 = vector.shape_cast %broadcast_in_dim3A_325 : vector<16x1xi32> to vector<16xi32>
    %gather3A_327 = tpu.dynamic_gather %select_n3A_304[%gather3A_326] in [0] : vector<16xi32>, vector<16xi32> -> vector<16xi32>
    %gt3A_328 = arith.cmpf ogt, %gather3A_317, %select_n3A_303 : vector<16xf32>
    %eq3A_329 = arith.cmpf oeq, %gather3A_317, %select_n3A_303 : vector<16xf32>
    %lt3A_330 = arith.cmpi slt, %gather3A_327, %select_n3A_304 : vector<16xi32>
    %and3A_331 = arith.andi %eq3A_329, %lt3A_330 : vector<16xi1>
    %or3A_332 = arith.ori %gt3A_328, %and3A_331 : vector<16xi1>
    %select_n3A_333 = arith.select %or3A_332, %gather3A_317, %select_n3A_303 : vector<16xi1>, vector<16xf32>
    %select_n3A_334 = arith.select %or3A_332, %gather3A_327, %select_n3A_304 : vector<16xi1>, vector<16xi32>
    %eq3A_335 = arith.constant 0 : i32
    %eq3A_336 = vector.broadcast %eq3A_335 : i32 to vector<16xi32>
    %eq3A_337 = arith.cmpi eq, %iota3A, %eq3A_336 : vector<16xi32>
    %select_n3A_338 = arith.select %eq3A_337, %select_n3A_334, %broadcast_in_dim3A_64 : vector<16xi1>, vector<16xi32>
    %add3A_339 = arith.constant 1 : i32
    %add3A_340 = arith.addi %add3A_4, %add3A_339 : i32
    %dma_wait3A_341 = arith.constant 1 : i32
    %dma_wait3A_342 = arith.constant 0 : i32
    %dma_wait3A_343 = tpu.memref_slice %arg4[%dma_wait3A_341, %dma_wait3A_342] : memref<2x32768xf32, #tpu.memory_space<vmem>> -> memref<1x16384xf32, #tpu.memory_space<vmem>>
    %dma_wait3A_344 = tpu.memref_squeeze %dma_wait3A_343 : memref<1x16384xf32, #tpu.memory_space<vmem>> -> memref<16384xf32, #tpu.memory_space<vmem>>
    %dma_wait3A_345 = arith.constant 0 : i32
    %dma_wait3A_346 = tpu.memref_slice %arg2[%add3A_340, %dma_wait3A_345] : memref<128x32768xf32, #tpu.memory_space<hbm>> -> memref<1x16384xf32, #tpu.memory_space<hbm>>
    %dma_wait3A_347 = tpu.memref_squeeze %dma_wait3A_346 : memref<1x16384xf32, #tpu.memory_space<hbm>> -> memref<16384xf32, #tpu.memory_space<hbm>>
    %dma_wait3A_348 = arith.constant 0 : i32
    %dma_wait3A_349 = tpu.memref_slice %arg4[%dma_wait3A_341, %dma_wait3A_348] : memref<2x32768xf32, #tpu.memory_space<vmem>> -> memref<1x16384xf32, #tpu.memory_space<vmem>>
    %dma_wait3A_350 = tpu.memref_squeeze %dma_wait3A_349 : memref<1x16384xf32, #tpu.memory_space<vmem>> -> memref<16384xf32, #tpu.memory_space<vmem>>
    %dma_wait3A_351 = arith.constant 0 : i32
    %dma_wait3A_352 = tpu.memref_slice %arg2[%add3A_340, %dma_wait3A_351] : memref<128x32768xf32, #tpu.memory_space<hbm>> -> memref<1x16384xf32, #tpu.memory_space<hbm>>
    %dma_wait3A_353 = tpu.memref_squeeze %dma_wait3A_352 : memref<1x16384xf32, #tpu.memory_space<hbm>> -> memref<16384xf32, #tpu.memory_space<hbm>>
    tpu.wait_dma2 semaphore(%arg8 : memref<!tpu.dma_semaphore, #tpu.memory_space<semaphore_mem>>) src(%dma_wait3A_353 : memref<16384xf32, #tpu.memory_space<hbm>>) dst(%dma_wait3A_350 : memref<16384xf32, #tpu.memory_space<vmem>>)
    %iota3A_354 = tpu.iota {dimensions = array<i32: 0>} : vector<16xi32>
    %broadcast_in_dim3A_355 = arith.constant 0xFF800000 : f32
    %broadcast_in_dim3A_356 = vector.broadcast %broadcast_in_dim3A_355 : f32 to vector<16xf32>
    %broadcast_in_dim3A_357 = arith.constant 0 : i32
    %broadcast_in_dim3A_358 = vector.broadcast %broadcast_in_dim3A_357 : i32 to vector<16xi32>
    %scan3A_359 = arith.constant 1 : i32
    %scan3A_360 = arith.constant 0 : i32
    %scan3A_361 = arith.constant 128 : i32
    %scan3A_362 = arith.addi %scan3A_360, %scan3A_361 : i32
    %scan3A_363 = arith.constant 1 : i32
    %scan3A_364:8 = scf.for %scan3A_626 = %scan3A_360 to %scan3A_362 step %scan3A_363 iter_args(%scan3A_627 = %broadcast_in_dim3A_356, %scan3A_628 = %broadcast_in_dim3A_356, %scan3A_629 = %broadcast_in_dim3A_356, %scan3A_630 = %broadcast_in_dim3A_356, %scan3A_631 = %broadcast_in_dim3A_358, %scan3A_632 = %broadcast_in_dim3A_358, %scan3A_633 = %broadcast_in_dim3A_358, %scan3A_634 = %broadcast_in_dim3A_358) -> (vector<16xf32>, vector<16xf32>, vector<16xf32>, vector<16xf32>, vector<16xi32>, vector<16xi32>, vector<16xi32>, vector<16xi32>)  : i32 {
      %mul3A_635 = arith.constant 2 : i32
      %mul3A_636 = arith.muli %scan3A_626, %mul3A_635 : i32
      %add3A_637 = arith.constant 0 : i32
      %add3A_638 = arith.addi %mul3A_636, %add3A_637 : i32
      %broadcast_in_dim3A_639 = vector.broadcast %add3A_638 : i32 to vector<16xi32>
      %mul3A_640 = arith.constant 64 : i32
      %mul3A_641 = arith.muli %add3A_638, %mul3A_640 : i32
      %add3A_642 = arith.constant 0 : i32
      %add3A_643 = arith.addi %add3A_642, %mul3A_641 : i32
      %add3A_644 = arith.constant 0 : i32
      %add3A_645 = arith.addi %add3A_643, %add3A_644 : i32
      %get3A = arith.constant 0 : i32
      %get3A_646 = tpu.memref_slice %arg4[%scan3A_359, %get3A] : memref<2x32768xf32, #tpu.memory_space<vmem>> -> memref<1x32768xf32, #tpu.memory_space<vmem>>
      %get3A_647 = tpu.memref_squeeze %get3A_646 : memref<1x32768xf32, #tpu.memory_space<vmem>> -> memref<32768xf32, #tpu.memory_space<vmem>>
      %get3A_648 = arith.index_cast %add3A_645 : i32 to index
      %get3A_649 = tpu.vector_load %get3A_647[%get3A_648] {strides = array<i32>} : memref<32768xf32, #tpu.memory_space<vmem>>, vector<16xf32>,
      %get3A_650 = vector.shape_cast %get3A_649 : vector<16xf32> to vector<16xf32>
      %gt3A_651 = arith.cmpf ogt, %get3A_650, %scan3A_627 : vector<16xf32>
      %select_n3A_652 = arith.select %gt3A_651, %get3A_650, %scan3A_627 : vector<16xi1>, vector<16xf32>
      %select_n3A_653 = arith.select %gt3A_651, %broadcast_in_dim3A_639, %scan3A_631 : vector<16xi1>, vector<16xi32>
      %add3A_654 = arith.constant 16 : i32
      %add3A_655 = arith.addi %add3A_643, %add3A_654 : i32
      %get3A_656 = arith.constant 0 : i32
      %get3A_657 = tpu.memref_slice %arg4[%scan3A_359, %get3A_656] : memref<2x32768xf32, #tpu.memory_space<vmem>> -> memref<1x32768xf32, #tpu.memory_space<vmem>>
      %get3A_658 = tpu.memref_squeeze %get3A_657 : memref<1x32768xf32, #tpu.memory_space<vmem>> -> memref<32768xf32, #tpu.memory_space<vmem>>
      %get3A_659 = arith.index_cast %add3A_655 : i32 to index
      %get3A_660 = tpu.vector_load %get3A_658[%get3A_659] {strides = array<i32>} : memref<32768xf32, #tpu.memory_space<vmem>>, vector<16xf32>,
      %get3A_661 = vector.shape_cast %get3A_660 : vector<16xf32> to vector<16xf32>
      %gt3A_662 = arith.cmpf ogt, %get3A_661, %scan3A_628 : vector<16xf32>
      %select_n3A_663 = arith.select %gt3A_662, %get3A_661, %scan3A_628 : vector<16xi1>, vector<16xf32>
      %select_n3A_664 = arith.select %gt3A_662, %broadcast_in_dim3A_639, %scan3A_632 : vector<16xi1>, vector<16xi32>
      %add3A_665 = arith.constant 32 : i32
      %add3A_666 = arith.addi %add3A_643, %add3A_665 : i32
      %get3A_667 = arith.constant 0 : i32
      %get3A_668 = tpu.memref_slice %arg4[%scan3A_359, %get3A_667] : memref<2x32768xf32, #tpu.memory_space<vmem>> -> memref<1x32768xf32, #tpu.memory_space<vmem>>
      %get3A_669 = tpu.memref_squeeze %get3A_668 : memref<1x32768xf32, #tpu.memory_space<vmem>> -> memref<32768xf32, #tpu.memory_space<vmem>>
      %get3A_670 = arith.index_cast %add3A_666 : i32 to index
      %get3A_671 = tpu.vector_load %get3A_669[%get3A_670] {strides = array<i32>} : memref<32768xf32, #tpu.memory_space<vmem>>, vector<16xf32>,
      %get3A_672 = vector.shape_cast %get3A_671 : vector<16xf32> to vector<16xf32>
      %gt3A_673 = arith.cmpf ogt, %get3A_672, %scan3A_629 : vector<16xf32>
      %select_n3A_674 = arith.select %gt3A_673, %get3A_672, %scan3A_629 : vector<16xi1>, vector<16xf32>
      %select_n3A_675 = arith.select %gt3A_673, %broadcast_in_dim3A_639, %scan3A_633 : vector<16xi1>, vector<16xi32>
      %add3A_676 = arith.constant 48 : i32
      %add3A_677 = arith.addi %add3A_643, %add3A_676 : i32
      %get3A_678 = arith.constant 0 : i32
      %get3A_679 = tpu.memref_slice %arg4[%scan3A_359, %get3A_678] : memref<2x32768xf32, #tpu.memory_space<vmem>> -> memref<1x32768xf32, #tpu.memory_space<vmem>>
      %get3A_680 = tpu.memref_squeeze %get3A_679 : memref<1x32768xf32, #tpu.memory_space<vmem>> -> memref<32768xf32, #tpu.memory_space<vmem>>
      %get3A_681 = arith.index_cast %add3A_677 : i32 to index
      %get3A_682 = tpu.vector_load %get3A_680[%get3A_681] {strides = array<i32>} : memref<32768xf32, #tpu.memory_space<vmem>>, vector<16xf32>,
      %get3A_683 = vector.shape_cast %get3A_682 : vector<16xf32> to vector<16xf32>
      %gt3A_684 = arith.cmpf ogt, %get3A_683, %scan3A_630 : vector<16xf32>
      %select_n3A_685 = arith.select %gt3A_684, %get3A_683, %scan3A_630 : vector<16xi1>, vector<16xf32>
      %select_n3A_686 = arith.select %gt3A_684, %broadcast_in_dim3A_639, %scan3A_634 : vector<16xi1>, vector<16xi32>
      %mul3A_687 = arith.constant 2 : i32
      %mul3A_688 = arith.muli %scan3A_626, %mul3A_687 : i32
      %add3A_689 = arith.constant 1 : i32
      %add3A_690 = arith.addi %mul3A_688, %add3A_689 : i32
      %broadcast_in_dim3A_691 = vector.broadcast %add3A_690 : i32 to vector<16xi32>
      %mul3A_692 = arith.constant 64 : i32
      %mul3A_693 = arith.muli %add3A_690, %mul3A_692 : i32
      %add3A_694 = arith.constant 0 : i32
      %add3A_695 = arith.addi %add3A_694, %mul3A_693 : i32
      %add3A_696 = arith.constant 0 : i32
      %add3A_697 = arith.addi %add3A_695, %add3A_696 : i32
      %get3A_698 = arith.constant 0 : i32
      %get3A_699 = tpu.memref_slice %arg4[%scan3A_359, %get3A_698] : memref<2x32768xf32, #tpu.memory_space<vmem>> -> memref<1x32768xf32, #tpu.memory_space<vmem>>
      %get3A_700 = tpu.memref_squeeze %get3A_699 : memref<1x32768xf32, #tpu.memory_space<vmem>> -> memref<32768xf32, #tpu.memory_space<vmem>>
      %get3A_701 = arith.index_cast %add3A_697 : i32 to index
      %get3A_702 = tpu.vector_load %get3A_700[%get3A_701] {strides = array<i32>} : memref<32768xf32, #tpu.memory_space<vmem>>, vector<16xf32>,
      %get3A_703 = vector.shape_cast %get3A_702 : vector<16xf32> to vector<16xf32>
      %gt3A_704 = arith.cmpf ogt, %get3A_703, %select_n3A_652 : vector<16xf32>
      %select_n3A_705 = arith.select %gt3A_704, %get3A_703, %select_n3A_652 : vector<16xi1>, vector<16xf32>
      %select_n3A_706 = arith.select %gt3A_704, %broadcast_in_dim3A_691, %select_n3A_653 : vector<16xi1>, vector<16xi32>
      %add3A_707 = arith.constant 16 : i32
      %add3A_708 = arith.addi %add3A_695, %add3A_707 : i32
      %get3A_709 = arith.constant 0 : i32
      %get3A_710 = tpu.memref_slice %arg4[%scan3A_359, %get3A_709] : memref<2x32768xf32, #tpu.memory_space<vmem>> -> memref<1x32768xf32, #tpu.memory_space<vmem>>
      %get3A_711 = tpu.memref_squeeze %get3A_710 : memref<1x32768xf32, #tpu.memory_space<vmem>> -> memref<32768xf32, #tpu.memory_space<vmem>>
      %get3A_712 = arith.index_cast %add3A_708 : i32 to index
      %get3A_713 = tpu.vector_load %get3A_711[%get3A_712] {strides = array<i32>} : memref<32768xf32, #tpu.memory_space<vmem>>, vector<16xf32>,
      %get3A_714 = vector.shape_cast %get3A_713 : vector<16xf32> to vector<16xf32>
      %gt3A_715 = arith.cmpf ogt, %get3A_714, %select_n3A_663 : vector<16xf32>
      %select_n3A_716 = arith.select %gt3A_715, %get3A_714, %select_n3A_663 : vector<16xi1>, vector<16xf32>
      %select_n3A_717 = arith.select %gt3A_715, %broadcast_in_dim3A_691, %select_n3A_664 : vector<16xi1>, vector<16xi32>
      %add3A_718 = arith.constant 32 : i32
      %add3A_719 = arith.addi %add3A_695, %add3A_718 : i32
      %get3A_720 = arith.constant 0 : i32
      %get3A_721 = tpu.memref_slice %arg4[%scan3A_359, %get3A_720] : memref<2x32768xf32, #tpu.memory_space<vmem>> -> memref<1x32768xf32, #tpu.memory_space<vmem>>
      %get3A_722 = tpu.memref_squeeze %get3A_721 : memref<1x32768xf32, #tpu.memory_space<vmem>> -> memref<32768xf32, #tpu.memory_space<vmem>>
      %get3A_723 = arith.index_cast %add3A_719 : i32 to index
      %get3A_724 = tpu.vector_load %get3A_722[%get3A_723] {strides = array<i32>} : memref<32768xf32, #tpu.memory_space<vmem>>, vector<16xf32>,
      %get3A_725 = vector.shape_cast %get3A_724 : vector<16xf32> to vector<16xf32>
      %gt3A_726 = arith.cmpf ogt, %get3A_725, %select_n3A_674 : vector<16xf32>
      %select_n3A_727 = arith.select %gt3A_726, %get3A_725, %select_n3A_674 : vector<16xi1>, vector<16xf32>
      %select_n3A_728 = arith.select %gt3A_726, %broadcast_in_dim3A_691, %select_n3A_675 : vector<16xi1>, vector<16xi32>
      %add3A_729 = arith.constant 48 : i32
      %add3A_730 = arith.addi %add3A_695, %add3A_729 : i32
      %get3A_731 = arith.constant 0 : i32
      %get3A_732 = tpu.memref_slice %arg4[%scan3A_359, %get3A_731] : memref<2x32768xf32, #tpu.memory_space<vmem>> -> memref<1x32768xf32, #tpu.memory_space<vmem>>
      %get3A_733 = tpu.memref_squeeze %get3A_732 : memref<1x32768xf32, #tpu.memory_space<vmem>> -> memref<32768xf32, #tpu.memory_space<vmem>>
      %get3A_734 = arith.index_cast %add3A_730 : i32 to index
      %get3A_735 = tpu.vector_load %get3A_733[%get3A_734] {strides = array<i32>} : memref<32768xf32, #tpu.memory_space<vmem>>, vector<16xf32>,
      %get3A_736 = vector.shape_cast %get3A_735 : vector<16xf32> to vector<16xf32>
      %gt3A_737 = arith.cmpf ogt, %get3A_736, %select_n3A_685 : vector<16xf32>
      %select_n3A_738 = arith.select %gt3A_737, %get3A_736, %select_n3A_685 : vector<16xi1>, vector<16xf32>
      %select_n3A_739 = arith.select %gt3A_737, %broadcast_in_dim3A_691, %select_n3A_686 : vector<16xi1>, vector<16xi32>
      scf.yield %select_n3A_705, %select_n3A_716, %select_n3A_727, %select_n3A_738, %select_n3A_706, %select_n3A_717, %select_n3A_728, %select_n3A_739 : vector<16xf32>, vector<16xf32>, vector<16xf32>, vector<16xf32>, vector<16xi32>, vector<16xi32>, vector<16xi32>, vector<16xi32>
    }
    %scan3A_365 = arith.constant 128 : i32
    %mul3A_366 = arith.constant 64 : i32
    %mul3A_367 = vector.broadcast %mul3A_366 : i32 to vector<16xi32>
    %mul3A_368 = arith.muli %scan3A_364#4, %mul3A_367 : vector<16xi32>
    %add3A_369 = arith.constant 0 : i32
    %add3A_370 = vector.broadcast %add3A_369 : i32 to vector<16xi32>
    %add3A_371 = arith.addi %mul3A_368, %add3A_370 : vector<16xi32>
    %add3A_372 = arith.addi %add3A_371, %iota3A_354 : vector<16xi32>
    %mul3A_373 = arith.constant 64 : i32
    %mul3A_374 = vector.broadcast %mul3A_373 : i32 to vector<16xi32>
    %mul3A_375 = arith.muli %scan3A_364#5, %mul3A_374 : vector<16xi32>
    %add3A_376 = arith.constant 16 : i32
    %add3A_377 = vector.broadcast %add3A_376 : i32 to vector<16xi32>
    %add3A_378 = arith.addi %mul3A_375, %add3A_377 : vector<16xi32>
    %add3A_379 = arith.addi %add3A_378, %iota3A_354 : vector<16xi32>
    %mul3A_380 = arith.constant 64 : i32
    %mul3A_381 = vector.broadcast %mul3A_380 : i32 to vector<16xi32>
    %mul3A_382 = arith.muli %scan3A_364#6, %mul3A_381 : vector<16xi32>
    %add3A_383 = arith.constant 32 : i32
    %add3A_384 = vector.broadcast %add3A_383 : i32 to vector<16xi32>
    %add3A_385 = arith.addi %mul3A_382, %add3A_384 : vector<16xi32>
    %add3A_386 = arith.addi %add3A_385, %iota3A_354 : vector<16xi32>
    %mul3A_387 = arith.constant 64 : i32
    %mul3A_388 = vector.broadcast %mul3A_387 : i32 to vector<16xi32>
    %mul3A_389 = arith.muli %scan3A_364#7, %mul3A_388 : vector<16xi32>
    %add3A_390 = arith.constant 48 : i32
    %add3A_391 = vector.broadcast %add3A_390 : i32 to vector<16xi32>
    %add3A_392 = arith.addi %mul3A_389, %add3A_391 : vector<16xi32>
    %add3A_393 = arith.addi %add3A_392, %iota3A_354 : vector<16xi32>
    %gt3A_394 = arith.cmpf ogt, %scan3A_364#1, %scan3A_364#0 : vector<16xf32>
    %eq3A_395 = arith.cmpf oeq, %scan3A_364#1, %scan3A_364#0 : vector<16xf32>
    %lt3A_396 = arith.cmpi slt, %add3A_379, %add3A_372 : vector<16xi32>
    %and3A_397 = arith.andi %eq3A_395, %lt3A_396 : vector<16xi1>
    %or3A_398 = arith.ori %gt3A_394, %and3A_397 : vector<16xi1>
    %select_n3A_399 = arith.select %or3A_398, %scan3A_364#1, %scan3A_364#0 : vector<16xi1>, vector<16xf32>
    %select_n3A_400 = arith.select %or3A_398, %add3A_379, %add3A_372 : vector<16xi1>, vector<16xi32>
    %gt3A_401 = arith.cmpf ogt, %scan3A_364#3, %scan3A_364#2 : vector<16xf32>
    %eq3A_402 = arith.cmpf oeq, %scan3A_364#3, %scan3A_364#2 : vector<16xf32>
    %lt3A_403 = arith.cmpi slt, %add3A_393, %add3A_386 : vector<16xi32>
    %and3A_404 = arith.andi %eq3A_402, %lt3A_403 : vector<16xi1>
    %or3A_405 = arith.ori %gt3A_401, %and3A_404 : vector<16xi1>
    %select_n3A_406 = arith.select %or3A_405, %scan3A_364#3, %scan3A_364#2 : vector<16xi1>, vector<16xf32>
    %select_n3A_407 = arith.select %or3A_405, %add3A_393, %add3A_386 : vector<16xi1>, vector<16xi32>
    %gt3A_408 = arith.cmpf ogt, %select_n3A_406, %select_n3A_399 : vector<16xf32>
    %eq3A_409 = arith.cmpf oeq, %select_n3A_406, %select_n3A_399 : vector<16xf32>
    %lt3A_410 = arith.cmpi slt, %select_n3A_407, %select_n3A_400 : vector<16xi32>
    %and3A_411 = arith.andi %eq3A_409, %lt3A_410 : vector<16xi1>
    %or3A_412 = arith.ori %gt3A_408, %and3A_411 : vector<16xi1>
    %select_n3A_413 = arith.select %or3A_412, %select_n3A_406, %select_n3A_399 : vector<16xi1>, vector<16xf32>
    %select_n3A_414 = arith.select %or3A_412, %select_n3A_407, %select_n3A_400 : vector<16xi1>, vector<16xi32>
    %add3A_415 = arith.constant 1 : i32
    %add3A_416 = arith.addi %add3A_4, %add3A_415 : i32
    %dma_wait3A_417 = arith.constant 1 : i32
    %dma_wait3A_418 = arith.constant 16384 : i32
    %dma_wait3A_419 = tpu.memref_slice %arg4[%dma_wait3A_417, %dma_wait3A_418] : memref<2x32768xf32, #tpu.memory_space<vmem>> -> memref<1x16384xf32, #tpu.memory_space<vmem>>
    %dma_wait3A_420 = tpu.memref_squeeze %dma_wait3A_419 : memref<1x16384xf32, #tpu.memory_space<vmem>> -> memref<16384xf32, #tpu.memory_space<vmem>>
    %dma_wait3A_421 = arith.constant 16384 : i32
    %dma_wait3A_422 = tpu.memref_slice %arg2[%add3A_416, %dma_wait3A_421] : memref<128x32768xf32, #tpu.memory_space<hbm>> -> memref<1x16384xf32, #tpu.memory_space<hbm>>
    %dma_wait3A_423 = tpu.memref_squeeze %dma_wait3A_422 : memref<1x16384xf32, #tpu.memory_space<hbm>> -> memref<16384xf32, #tpu.memory_space<hbm>>
    %dma_wait3A_424 = arith.constant 16384 : i32
    %dma_wait3A_425 = tpu.memref_slice %arg4[%dma_wait3A_417, %dma_wait3A_424] : memref<2x32768xf32, #tpu.memory_space<vmem>> -> memref<1x16384xf32, #tpu.memory_space<vmem>>
    %dma_wait3A_426 = tpu.memref_squeeze %dma_wait3A_425 : memref<1x16384xf32, #tpu.memory_space<vmem>> -> memref<16384xf32, #tpu.memory_space<vmem>>
    %dma_wait3A_427 = arith.constant 16384 : i32
    %dma_wait3A_428 = tpu.memref_slice %arg2[%add3A_416, %dma_wait3A_427] : memref<128x32768xf32, #tpu.memory_space<hbm>> -> memref<1x16384xf32, #tpu.memory_space<hbm>>
    %dma_wait3A_429 = tpu.memref_squeeze %dma_wait3A_428 : memref<1x16384xf32, #tpu.memory_space<hbm>> -> memref<16384xf32, #tpu.memory_space<hbm>>
    tpu.wait_dma2 semaphore(%arg9 : memref<!tpu.dma_semaphore, #tpu.memory_space<semaphore_mem>>) src(%dma_wait3A_429 : memref<16384xf32, #tpu.memory_space<hbm>>) dst(%dma_wait3A_426 : memref<16384xf32, #tpu.memory_space<vmem>>)
    %iota3A_430 = tpu.iota {dimensions = array<i32: 0>} : vector<16xi32>
    %broadcast_in_dim3A_431 = arith.constant 0xFF800000 : f32
    %broadcast_in_dim3A_432 = vector.broadcast %broadcast_in_dim3A_431 : f32 to vector<16xf32>
    %broadcast_in_dim3A_433 = arith.constant 0 : i32
    %broadcast_in_dim3A_434 = vector.broadcast %broadcast_in_dim3A_433 : i32 to vector<16xi32>
    %scan3A_435 = arith.constant 1 : i32
    %scan3A_436 = arith.constant 0 : i32
    %scan3A_437 = arith.constant 128 : i32
    %scan3A_438 = arith.addi %scan3A_436, %scan3A_437 : i32
    %scan3A_439 = arith.constant 1 : i32
    %scan3A_440:8 = scf.for %scan3A_626 = %scan3A_436 to %scan3A_438 step %scan3A_439 iter_args(%scan3A_627 = %broadcast_in_dim3A_432, %scan3A_628 = %broadcast_in_dim3A_432, %scan3A_629 = %broadcast_in_dim3A_432, %scan3A_630 = %broadcast_in_dim3A_432, %scan3A_631 = %broadcast_in_dim3A_434, %scan3A_632 = %broadcast_in_dim3A_434, %scan3A_633 = %broadcast_in_dim3A_434, %scan3A_634 = %broadcast_in_dim3A_434) -> (vector<16xf32>, vector<16xf32>, vector<16xf32>, vector<16xf32>, vector<16xi32>, vector<16xi32>, vector<16xi32>, vector<16xi32>)  : i32 {
      %mul3A_635 = arith.constant 2 : i32
      %mul3A_636 = arith.muli %scan3A_626, %mul3A_635 : i32
      %add3A_637 = arith.constant 0 : i32
      %add3A_638 = arith.addi %mul3A_636, %add3A_637 : i32
      %broadcast_in_dim3A_639 = vector.broadcast %add3A_638 : i32 to vector<16xi32>
      %mul3A_640 = arith.constant 64 : i32
      %mul3A_641 = arith.muli %add3A_638, %mul3A_640 : i32
      %add3A_642 = arith.constant 16384 : i32
      %add3A_643 = arith.addi %add3A_642, %mul3A_641 : i32
      %add3A_644 = arith.constant 0 : i32
      %add3A_645 = arith.addi %add3A_643, %add3A_644 : i32
      %get3A = arith.constant 0 : i32
      %get3A_646 = tpu.memref_slice %arg4[%scan3A_435, %get3A] : memref<2x32768xf32, #tpu.memory_space<vmem>> -> memref<1x32768xf32, #tpu.memory_space<vmem>>
      %get3A_647 = tpu.memref_squeeze %get3A_646 : memref<1x32768xf32, #tpu.memory_space<vmem>> -> memref<32768xf32, #tpu.memory_space<vmem>>
      %get3A_648 = arith.index_cast %add3A_645 : i32 to index
      %get3A_649 = tpu.vector_load %get3A_647[%get3A_648] {strides = array<i32>} : memref<32768xf32, #tpu.memory_space<vmem>>, vector<16xf32>,
      %get3A_650 = vector.shape_cast %get3A_649 : vector<16xf32> to vector<16xf32>
      %gt3A_651 = arith.cmpf ogt, %get3A_650, %scan3A_627 : vector<16xf32>
      %select_n3A_652 = arith.select %gt3A_651, %get3A_650, %scan3A_627 : vector<16xi1>, vector<16xf32>
      %select_n3A_653 = arith.select %gt3A_651, %broadcast_in_dim3A_639, %scan3A_631 : vector<16xi1>, vector<16xi32>
      %add3A_654 = arith.constant 16 : i32
      %add3A_655 = arith.addi %add3A_643, %add3A_654 : i32
      %get3A_656 = arith.constant 0 : i32
      %get3A_657 = tpu.memref_slice %arg4[%scan3A_435, %get3A_656] : memref<2x32768xf32, #tpu.memory_space<vmem>> -> memref<1x32768xf32, #tpu.memory_space<vmem>>
      %get3A_658 = tpu.memref_squeeze %get3A_657 : memref<1x32768xf32, #tpu.memory_space<vmem>> -> memref<32768xf32, #tpu.memory_space<vmem>>
      %get3A_659 = arith.index_cast %add3A_655 : i32 to index
      %get3A_660 = tpu.vector_load %get3A_658[%get3A_659] {strides = array<i32>} : memref<32768xf32, #tpu.memory_space<vmem>>, vector<16xf32>,
      %get3A_661 = vector.shape_cast %get3A_660 : vector<16xf32> to vector<16xf32>
      %gt3A_662 = arith.cmpf ogt, %get3A_661, %scan3A_628 : vector<16xf32>
      %select_n3A_663 = arith.select %gt3A_662, %get3A_661, %scan3A_628 : vector<16xi1>, vector<16xf32>
      %select_n3A_664 = arith.select %gt3A_662, %broadcast_in_dim3A_639, %scan3A_632 : vector<16xi1>, vector<16xi32>
      %add3A_665 = arith.constant 32 : i32
      %add3A_666 = arith.addi %add3A_643, %add3A_665 : i32
      %get3A_667 = arith.constant 0 : i32
      %get3A_668 = tpu.memref_slice %arg4[%scan3A_435, %get3A_667] : memref<2x32768xf32, #tpu.memory_space<vmem>> -> memref<1x32768xf32, #tpu.memory_space<vmem>>
      %get3A_669 = tpu.memref_squeeze %get3A_668 : memref<1x32768xf32, #tpu.memory_space<vmem>> -> memref<32768xf32, #tpu.memory_space<vmem>>
      %get3A_670 = arith.index_cast %add3A_666 : i32 to index
      %get3A_671 = tpu.vector_load %get3A_669[%get3A_670] {strides = array<i32>} : memref<32768xf32, #tpu.memory_space<vmem>>, vector<16xf32>,
      %get3A_672 = vector.shape_cast %get3A_671 : vector<16xf32> to vector<16xf32>
      %gt3A_673 = arith.cmpf ogt, %get3A_672, %scan3A_629 : vector<16xf32>
      %select_n3A_674 = arith.select %gt3A_673, %get3A_672, %scan3A_629 : vector<16xi1>, vector<16xf32>
      %select_n3A_675 = arith.select %gt3A_673, %broadcast_in_dim3A_639, %scan3A_633 : vector<16xi1>, vector<16xi32>
      %add3A_676 = arith.constant 48 : i32
      %add3A_677 = arith.addi %add3A_643, %add3A_676 : i32
      %get3A_678 = arith.constant 0 : i32
      %get3A_679 = tpu.memref_slice %arg4[%scan3A_435, %get3A_678] : memref<2x32768xf32, #tpu.memory_space<vmem>> -> memref<1x32768xf32, #tpu.memory_space<vmem>>
      %get3A_680 = tpu.memref_squeeze %get3A_679 : memref<1x32768xf32, #tpu.memory_space<vmem>> -> memref<32768xf32, #tpu.memory_space<vmem>>
      %get3A_681 = arith.index_cast %add3A_677 : i32 to index
      %get3A_682 = tpu.vector_load %get3A_680[%get3A_681] {strides = array<i32>} : memref<32768xf32, #tpu.memory_space<vmem>>, vector<16xf32>,
      %get3A_683 = vector.shape_cast %get3A_682 : vector<16xf32> to vector<16xf32>
      %gt3A_684 = arith.cmpf ogt, %get3A_683, %scan3A_630 : vector<16xf32>
      %select_n3A_685 = arith.select %gt3A_684, %get3A_683, %scan3A_630 : vector<16xi1>, vector<16xf32>
      %select_n3A_686 = arith.select %gt3A_684, %broadcast_in_dim3A_639, %scan3A_634 : vector<16xi1>, vector<16xi32>
      %mul3A_687 = arith.constant 2 : i32
      %mul3A_688 = arith.muli %scan3A_626, %mul3A_687 : i32
      %add3A_689 = arith.constant 1 : i32
      %add3A_690 = arith.addi %mul3A_688, %add3A_689 : i32
      %broadcast_in_dim3A_691 = vector.broadcast %add3A_690 : i32 to vector<16xi32>
      %mul3A_692 = arith.constant 64 : i32
      %mul3A_693 = arith.muli %add3A_690, %mul3A_692 : i32
      %add3A_694 = arith.constant 16384 : i32
      %add3A_695 = arith.addi %add3A_694, %mul3A_693 : i32
      %add3A_696 = arith.constant 0 : i32
      %add3A_697 = arith.addi %add3A_695, %add3A_696 : i32
      %get3A_698 = arith.constant 0 : i32
      %get3A_699 = tpu.memref_slice %arg4[%scan3A_435, %get3A_698] : memref<2x32768xf32, #tpu.memory_space<vmem>> -> memref<1x32768xf32, #tpu.memory_space<vmem>>
      %get3A_700 = tpu.memref_squeeze %get3A_699 : memref<1x32768xf32, #tpu.memory_space<vmem>> -> memref<32768xf32, #tpu.memory_space<vmem>>
      %get3A_701 = arith.index_cast %add3A_697 : i32 to index
      %get3A_702 = tpu.vector_load %get3A_700[%get3A_701] {strides = array<i32>} : memref<32768xf32, #tpu.memory_space<vmem>>, vector<16xf32>,
      %get3A_703 = vector.shape_cast %get3A_702 : vector<16xf32> to vector<16xf32>
      %gt3A_704 = arith.cmpf ogt, %get3A_703, %select_n3A_652 : vector<16xf32>
      %select_n3A_705 = arith.select %gt3A_704, %get3A_703, %select_n3A_652 : vector<16xi1>, vector<16xf32>
      %select_n3A_706 = arith.select %gt3A_704, %broadcast_in_dim3A_691, %select_n3A_653 : vector<16xi1>, vector<16xi32>
      %add3A_707 = arith.constant 16 : i32
      %add3A_708 = arith.addi %add3A_695, %add3A_707 : i32
      %get3A_709 = arith.constant 0 : i32
      %get3A_710 = tpu.memref_slice %arg4[%scan3A_435, %get3A_709] : memref<2x32768xf32, #tpu.memory_space<vmem>> -> memref<1x32768xf32, #tpu.memory_space<vmem>>
      %get3A_711 = tpu.memref_squeeze %get3A_710 : memref<1x32768xf32, #tpu.memory_space<vmem>> -> memref<32768xf32, #tpu.memory_space<vmem>>
      %get3A_712 = arith.index_cast %add3A_708 : i32 to index
      %get3A_713 = tpu.vector_load %get3A_711[%get3A_712] {strides = array<i32>} : memref<32768xf32, #tpu.memory_space<vmem>>, vector<16xf32>,
      %get3A_714 = vector.shape_cast %get3A_713 : vector<16xf32> to vector<16xf32>
      %gt3A_715 = arith.cmpf ogt, %get3A_714, %select_n3A_663 : vector<16xf32>
      %select_n3A_716 = arith.select %gt3A_715, %get3A_714, %select_n3A_663 : vector<16xi1>, vector<16xf32>
      %select_n3A_717 = arith.select %gt3A_715, %broadcast_in_dim3A_691, %select_n3A_664 : vector<16xi1>, vector<16xi32>
      %add3A_718 = arith.constant 32 : i32
      %add3A_719 = arith.addi %add3A_695, %add3A_718 : i32
      %get3A_720 = arith.constant 0 : i32
      %get3A_721 = tpu.memref_slice %arg4[%scan3A_435, %get3A_720] : memref<2x32768xf32, #tpu.memory_space<vmem>> -> memref<1x32768xf32, #tpu.memory_space<vmem>>
      %get3A_722 = tpu.memref_squeeze %get3A_721 : memref<1x32768xf32, #tpu.memory_space<vmem>> -> memref<32768xf32, #tpu.memory_space<vmem>>
      %get3A_723 = arith.index_cast %add3A_719 : i32 to index
      %get3A_724 = tpu.vector_load %get3A_722[%get3A_723] {strides = array<i32>} : memref<32768xf32, #tpu.memory_space<vmem>>, vector<16xf32>,
      %get3A_725 = vector.shape_cast %get3A_724 : vector<16xf32> to vector<16xf32>
      %gt3A_726 = arith.cmpf ogt, %get3A_725, %select_n3A_674 : vector<16xf32>
      %select_n3A_727 = arith.select %gt3A_726, %get3A_725, %select_n3A_674 : vector<16xi1>, vector<16xf32>
      %select_n3A_728 = arith.select %gt3A_726, %broadcast_in_dim3A_691, %select_n3A_675 : vector<16xi1>, vector<16xi32>
      %add3A_729 = arith.constant 48 : i32
      %add3A_730 = arith.addi %add3A_695, %add3A_729 : i32
      %get3A_731 = arith.constant 0 : i32
      %get3A_732 = tpu.memref_slice %arg4[%scan3A_435, %get3A_731] : memref<2x32768xf32, #tpu.memory_space<vmem>> -> memref<1x32768xf32, #tpu.memory_space<vmem>>
      %get3A_733 = tpu.memref_squeeze %get3A_732 : memref<1x32768xf32, #tpu.memory_space<vmem>> -> memref<32768xf32, #tpu.memory_space<vmem>>
      %get3A_734 = arith.index_cast %add3A_730 : i32 to index
      %get3A_735 = tpu.vector_load %get3A_733[%get3A_734] {strides = array<i32>} : memref<32768xf32, #tpu.memory_space<vmem>>, vector<16xf32>,
      %get3A_736 = vector.shape_cast %get3A_735 : vector<16xf32> to vector<16xf32>
      %gt3A_737 = arith.cmpf ogt, %get3A_736, %select_n3A_685 : vector<16xf32>
      %select_n3A_738 = arith.select %gt3A_737, %get3A_736, %select_n3A_685 : vector<16xi1>, vector<16xf32>
      %select_n3A_739 = arith.select %gt3A_737, %broadcast_in_dim3A_691, %select_n3A_686 : vector<16xi1>, vector<16xi32>
      scf.yield %select_n3A_705, %select_n3A_716, %select_n3A_727, %select_n3A_738, %select_n3A_706, %select_n3A_717, %select_n3A_728, %select_n3A_739 : vector<16xf32>, vector<16xf32>, vector<16xf32>, vector<16xf32>, vector<16xi32>, vector<16xi32>, vector<16xi32>, vector<16xi32>
    }
    %scan3A_441 = arith.constant 128 : i32
    %mul3A_442 = arith.constant 64 : i32
    %mul3A_443 = vector.broadcast %mul3A_442 : i32 to vector<16xi32>
    %mul3A_444 = arith.muli %scan3A_440#4, %mul3A_443 : vector<16xi32>
    %add3A_445 = arith.constant 16384 : i32
    %add3A_446 = vector.broadcast %add3A_445 : i32 to vector<16xi32>
    %add3A_447 = arith.addi %mul3A_444, %add3A_446 : vector<16xi32>
    %add3A_448 = arith.addi %add3A_447, %iota3A_430 : vector<16xi32>
    %mul3A_449 = arith.constant 64 : i32
    %mul3A_450 = vector.broadcast %mul3A_449 : i32 to vector<16xi32>
    %mul3A_451 = arith.muli %scan3A_440#5, %mul3A_450 : vector<16xi32>
    %add3A_452 = arith.constant 16400 : i32
    %add3A_453 = vector.broadcast %add3A_452 : i32 to vector<16xi32>
    %add3A_454 = arith.addi %mul3A_451, %add3A_453 : vector<16xi32>
    %add3A_455 = arith.addi %add3A_454, %iota3A_430 : vector<16xi32>
    %mul3A_456 = arith.constant 64 : i32
    %mul3A_457 = vector.broadcast %mul3A_456 : i32 to vector<16xi32>
    %mul3A_458 = arith.muli %scan3A_440#6, %mul3A_457 : vector<16xi32>
    %add3A_459 = arith.constant 16416 : i32
    %add3A_460 = vector.broadcast %add3A_459 : i32 to vector<16xi32>
    %add3A_461 = arith.addi %mul3A_458, %add3A_460 : vector<16xi32>
    %add3A_462 = arith.addi %add3A_461, %iota3A_430 : vector<16xi32>
    %mul3A_463 = arith.constant 64 : i32
    %mul3A_464 = vector.broadcast %mul3A_463 : i32 to vector<16xi32>
    %mul3A_465 = arith.muli %scan3A_440#7, %mul3A_464 : vector<16xi32>
    %add3A_466 = arith.constant 16432 : i32
    %add3A_467 = vector.broadcast %add3A_466 : i32 to vector<16xi32>
    %add3A_468 = arith.addi %mul3A_465, %add3A_467 : vector<16xi32>
    %add3A_469 = arith.addi %add3A_468, %iota3A_430 : vector<16xi32>
    %gt3A_470 = arith.cmpf ogt, %scan3A_440#1, %scan3A_440#0 : vector<16xf32>
    %eq3A_471 = arith.cmpf oeq, %scan3A_440#1, %scan3A_440#0 : vector<16xf32>
    %lt3A_472 = arith.cmpi slt, %add3A_455, %add3A_448 : vector<16xi32>
    %and3A_473 = arith.andi %eq3A_471, %lt3A_472 : vector<16xi1>
    %or3A_474 = arith.ori %gt3A_470, %and3A_473 : vector<16xi1>
    %select_n3A_475 = arith.select %or3A_474, %scan3A_440#1, %scan3A_440#0 : vector<16xi1>, vector<16xf32>
    %select_n3A_476 = arith.select %or3A_474, %add3A_455, %add3A_448 : vector<16xi1>, vector<16xi32>
    %gt3A_477 = arith.cmpf ogt, %scan3A_440#3, %scan3A_440#2 : vector<16xf32>
    %eq3A_478 = arith.cmpf oeq, %scan3A_440#3, %scan3A_440#2 : vector<16xf32>
    %lt3A_479 = arith.cmpi slt, %add3A_469, %add3A_462 : vector<16xi32>
    %and3A_480 = arith.andi %eq3A_478, %lt3A_479 : vector<16xi1>
    %or3A_481 = arith.ori %gt3A_477, %and3A_480 : vector<16xi1>
    %select_n3A_482 = arith.select %or3A_481, %scan3A_440#3, %scan3A_440#2 : vector<16xi1>, vector<16xf32>
    %select_n3A_483 = arith.select %or3A_481, %add3A_469, %add3A_462 : vector<16xi1>, vector<16xi32>
    %gt3A_484 = arith.cmpf ogt, %select_n3A_482, %select_n3A_475 : vector<16xf32>
    %eq3A_485 = arith.cmpf oeq, %select_n3A_482, %select_n3A_475 : vector<16xf32>
    %lt3A_486 = arith.cmpi slt, %select_n3A_483, %select_n3A_476 : vector<16xi32>
    %and3A_487 = arith.andi %eq3A_485, %lt3A_486 : vector<16xi1>
    %or3A_488 = arith.ori %gt3A_484, %and3A_487 : vector<16xi1>
    %select_n3A_489 = arith.select %or3A_488, %select_n3A_482, %select_n3A_475 : vector<16xi1>, vector<16xf32>
    %select_n3A_490 = arith.select %or3A_488, %select_n3A_483, %select_n3A_476 : vector<16xi1>, vector<16xi32>
    %gt3A_491 = arith.cmpf ogt, %select_n3A_489, %select_n3A_413 : vector<16xf32>
    %eq3A_492 = arith.cmpf oeq, %select_n3A_489, %select_n3A_413 : vector<16xf32>
    %lt3A_493 = arith.cmpi slt, %select_n3A_490, %select_n3A_414 : vector<16xi32>
    %and3A_494 = arith.andi %eq3A_492, %lt3A_493 : vector<16xi1>
    %or3A_495 = arith.ori %gt3A_491, %and3A_494 : vector<16xi1>
    %select_n3A_496 = arith.select %or3A_495, %select_n3A_489, %select_n3A_413 : vector<16xi1>, vector<16xf32>
    %select_n3A_497 = arith.select %or3A_495, %select_n3A_490, %select_n3A_414 : vector<16xi1>, vector<16xi32>
    %iota3A_498 = tpu.iota {dimensions = array<i32: 0>} : vector<16xi32>
    %xor3A_499 = arith.constant 8 : i32
    %xor3A_500 = vector.broadcast %xor3A_499 : i32 to vector<16xi32>
    %xor3A_501 = arith.xori %iota3A_498, %xor3A_500 : vector<16xi32>
    %lt3A_502 = arith.constant 0 : i32
    %lt3A_503 = vector.broadcast %lt3A_502 : i32 to vector<16xi32>
    %lt3A_504 = arith.cmpi slt, %xor3A_501, %lt3A_503 : vector<16xi32>
    %add3A_505 = arith.constant 16 : i32
    %add3A_506 = vector.broadcast %add3A_505 : i32 to vector<16xi32>
    %add3A_507 = arith.addi %xor3A_501, %add3A_506 : vector<16xi32>
    %select_n3A_508 = arith.select %lt3A_504, %add3A_507, %xor3A_501 : vector<16xi1>, vector<16xi32>
    %broadcast_in_dim3A_509 = vector.shape_cast %select_n3A_508 : vector<16xi32> to vector<16x1xi32>
    %gather3A_510 = vector.shape_cast %broadcast_in_dim3A_509 : vector<16x1xi32> to vector<16xi32>
    %gather3A_511 = tpu.dynamic_gather %select_n3A_496[%gather3A_510] in [0] : vector<16xf32>, vector<16xi32> -> vector<16xf32>
    %lt3A_512 = arith.constant 0 : i32
    %lt3A_513 = vector.broadcast %lt3A_512 : i32 to vector<16xi32>
    %lt3A_514 = arith.cmpi slt, %xor3A_501, %lt3A_513 : vector<16xi32>
    %add3A_515 = arith.constant 16 : i32
    %add3A_516 = vector.broadcast %add3A_515 : i32 to vector<16xi32>
    %add3A_517 = arith.addi %xor3A_501, %add3A_516 : vector<16xi32>
    %select_n3A_518 = arith.select %lt3A_514, %add3A_517, %xor3A_501 : vector<16xi1>, vector<16xi32>
    %broadcast_in_dim3A_519 = vector.shape_cast %select_n3A_518 : vector<16xi32> to vector<16x1xi32>
    %gather3A_520 = vector.shape_cast %broadcast_in_dim3A_519 : vector<16x1xi32> to vector<16xi32>
    %gather3A_521 = tpu.dynamic_gather %select_n3A_497[%gather3A_520] in [0] : vector<16xi32>, vector<16xi32> -> vector<16xi32>
    %gt3A_522 = arith.cmpf ogt, %gather3A_511, %select_n3A_496 : vector<16xf32>
    %eq3A_523 = arith.cmpf oeq, %gather3A_511, %select_n3A_496 : vector<16xf32>
    %lt3A_524 = arith.cmpi slt, %gather3A_521, %select_n3A_497 : vector<16xi32>
    %and3A_525 = arith.andi %eq3A_523, %lt3A_524 : vector<16xi1>
    %or3A_526 = arith.ori %gt3A_522, %and3A_525 : vector<16xi1>
    %select_n3A_527 = arith.select %or3A_526, %gather3A_511, %select_n3A_496 : vector<16xi1>, vector<16xf32>
    %select_n3A_528 = arith.select %or3A_526, %gather3A_521, %select_n3A_497 : vector<16xi1>, vector<16xi32>
    %xor3A_529 = arith.constant 4 : i32
    %xor3A_530 = vector.broadcast %xor3A_529 : i32 to vector<16xi32>
    %xor3A_531 = arith.xori %iota3A_498, %xor3A_530 : vector<16xi32>
    %lt3A_532 = arith.constant 0 : i32
    %lt3A_533 = vector.broadcast %lt3A_532 : i32 to vector<16xi32>
    %lt3A_534 = arith.cmpi slt, %xor3A_531, %lt3A_533 : vector<16xi32>
    %add3A_535 = arith.constant 16 : i32
    %add3A_536 = vector.broadcast %add3A_535 : i32 to vector<16xi32>
    %add3A_537 = arith.addi %xor3A_531, %add3A_536 : vector<16xi32>
    %select_n3A_538 = arith.select %lt3A_534, %add3A_537, %xor3A_531 : vector<16xi1>, vector<16xi32>
    %broadcast_in_dim3A_539 = vector.shape_cast %select_n3A_538 : vector<16xi32> to vector<16x1xi32>
    %gather3A_540 = vector.shape_cast %broadcast_in_dim3A_539 : vector<16x1xi32> to vector<16xi32>
    %gather3A_541 = tpu.dynamic_gather %select_n3A_527[%gather3A_540] in [0] : vector<16xf32>, vector<16xi32> -> vector<16xf32>
    %lt3A_542 = arith.constant 0 : i32
    %lt3A_543 = vector.broadcast %lt3A_542 : i32 to vector<16xi32>
    %lt3A_544 = arith.cmpi slt, %xor3A_531, %lt3A_543 : vector<16xi32>
    %add3A_545 = arith.constant 16 : i32
    %add3A_546 = vector.broadcast %add3A_545 : i32 to vector<16xi32>
    %add3A_547 = arith.addi %xor3A_531, %add3A_546 : vector<16xi32>
    %select_n3A_548 = arith.select %lt3A_544, %add3A_547, %xor3A_531 : vector<16xi1>, vector<16xi32>
    %broadcast_in_dim3A_549 = vector.shape_cast %select_n3A_548 : vector<16xi32> to vector<16x1xi32>
    %gather3A_550 = vector.shape_cast %broadcast_in_dim3A_549 : vector<16x1xi32> to vector<16xi32>
    %gather3A_551 = tpu.dynamic_gather %select_n3A_528[%gather3A_550] in [0] : vector<16xi32>, vector<16xi32> -> vector<16xi32>
    %gt3A_552 = arith.cmpf ogt, %gather3A_541, %select_n3A_527 : vector<16xf32>
    %eq3A_553 = arith.cmpf oeq, %gather3A_541, %select_n3A_527 : vector<16xf32>
    %lt3A_554 = arith.cmpi slt, %gather3A_551, %select_n3A_528 : vector<16xi32>
    %and3A_555 = arith.andi %eq3A_553, %lt3A_554 : vector<16xi1>
    %or3A_556 = arith.ori %gt3A_552, %and3A_555 : vector<16xi1>
    %select_n3A_557 = arith.select %or3A_556, %gather3A_541, %select_n3A_527 : vector<16xi1>, vector<16xf32>
    %select_n3A_558 = arith.select %or3A_556, %gather3A_551, %select_n3A_528 : vector<16xi1>, vector<16xi32>
    %xor3A_559 = arith.constant 2 : i32
    %xor3A_560 = vector.broadcast %xor3A_559 : i32 to vector<16xi32>
    %xor3A_561 = arith.xori %iota3A_498, %xor3A_560 : vector<16xi32>
    %lt3A_562 = arith.constant 0 : i32
    %lt3A_563 = vector.broadcast %lt3A_562 : i32 to vector<16xi32>
    %lt3A_564 = arith.cmpi slt, %xor3A_561, %lt3A_563 : vector<16xi32>
    %add3A_565 = arith.constant 16 : i32
    %add3A_566 = vector.broadcast %add3A_565 : i32 to vector<16xi32>
    %add3A_567 = arith.addi %xor3A_561, %add3A_566 : vector<16xi32>
    %select_n3A_568 = arith.select %lt3A_564, %add3A_567, %xor3A_561 : vector<16xi1>, vector<16xi32>
    %broadcast_in_dim3A_569 = vector.shape_cast %select_n3A_568 : vector<16xi32> to vector<16x1xi32>
    %gather3A_570 = vector.shape_cast %broadcast_in_dim3A_569 : vector<16x1xi32> to vector<16xi32>
    %gather3A_571 = tpu.dynamic_gather %select_n3A_557[%gather3A_570] in [0] : vector<16xf32>, vector<16xi32> -> vector<16xf32>
    %lt3A_572 = arith.constant 0 : i32
    %lt3A_573 = vector.broadcast %lt3A_572 : i32 to vector<16xi32>
    %lt3A_574 = arith.cmpi slt, %xor3A_561, %lt3A_573 : vector<16xi32>
    %add3A_575 = arith.constant 16 : i32
    %add3A_576 = vector.broadcast %add3A_575 : i32 to vector<16xi32>
    %add3A_577 = arith.addi %xor3A_561, %add3A_576 : vector<16xi32>
    %select_n3A_578 = arith.select %lt3A_574, %add3A_577, %xor3A_561 : vector<16xi1>, vector<16xi32>
    %broadcast_in_dim3A_579 = vector.shape_cast %select_n3A_578 : vector<16xi32> to vector<16x1xi32>
    %gather3A_580 = vector.shape_cast %broadcast_in_dim3A_579 : vector<16x1xi32> to vector<16xi32>
    %gather3A_581 = tpu.dynamic_gather %select_n3A_558[%gather3A_580] in [0] : vector<16xi32>, vector<16xi32> -> vector<16xi32>
    %gt3A_582 = arith.cmpf ogt, %gather3A_571, %select_n3A_557 : vector<16xf32>
    %eq3A_583 = arith.cmpf oeq, %gather3A_571, %select_n3A_557 : vector<16xf32>
    %lt3A_584 = arith.cmpi slt, %gather3A_581, %select_n3A_558 : vector<16xi32>
    %and3A_585 = arith.andi %eq3A_583, %lt3A_584 : vector<16xi1>
    %or3A_586 = arith.ori %gt3A_582, %and3A_585 : vector<16xi1>
    %select_n3A_587 = arith.select %or3A_586, %gather3A_571, %select_n3A_557 : vector<16xi1>, vector<16xf32>
    %select_n3A_588 = arith.select %or3A_586, %gather3A_581, %select_n3A_558 : vector<16xi1>, vector<16xi32>
    %xor3A_589 = arith.constant 1 : i32
    %xor3A_590 = vector.broadcast %xor3A_589 : i32 to vector<16xi32>
    %xor3A_591 = arith.xori %iota3A_498, %xor3A_590 : vector<16xi32>
    %lt3A_592 = arith.constant 0 : i32
    %lt3A_593 = vector.broadcast %lt3A_592 : i32 to vector<16xi32>
    %lt3A_594 = arith.cmpi slt, %xor3A_591, %lt3A_593 : vector<16xi32>
    %add3A_595 = arith.constant 16 : i32
    %add3A_596 = vector.broadcast %add3A_595 : i32 to vector<16xi32>
    %add3A_597 = arith.addi %xor3A_591, %add3A_596 : vector<16xi32>
    %select_n3A_598 = arith.select %lt3A_594, %add3A_597, %xor3A_591 : vector<16xi1>, vector<16xi32>
    %broadcast_in_dim3A_599 = vector.shape_cast %select_n3A_598 : vector<16xi32> to vector<16x1xi32>
    %gather3A_600 = vector.shape_cast %broadcast_in_dim3A_599 : vector<16x1xi32> to vector<16xi32>
    %gather3A_601 = tpu.dynamic_gather %select_n3A_587[%gather3A_600] in [0] : vector<16xf32>, vector<16xi32> -> vector<16xf32>
    %lt3A_602 = arith.constant 0 : i32
    %lt3A_603 = vector.broadcast %lt3A_602 : i32 to vector<16xi32>
    %lt3A_604 = arith.cmpi slt, %xor3A_591, %lt3A_603 : vector<16xi32>
    %add3A_605 = arith.constant 16 : i32
    %add3A_606 = vector.broadcast %add3A_605 : i32 to vector<16xi32>
    %add3A_607 = arith.addi %xor3A_591, %add3A_606 : vector<16xi32>
    %select_n3A_608 = arith.select %lt3A_604, %add3A_607, %xor3A_591 : vector<16xi1>, vector<16xi32>
    %broadcast_in_dim3A_609 = vector.shape_cast %select_n3A_608 : vector<16xi32> to vector<16x1xi32>
    %gather3A_610 = vector.shape_cast %broadcast_in_dim3A_609 : vector<16x1xi32> to vector<16xi32>
    %gather3A_611 = tpu.dynamic_gather %select_n3A_588[%gather3A_610] in [0] : vector<16xi32>, vector<16xi32> -> vector<16xi32>
    %gt3A_612 = arith.cmpf ogt, %gather3A_601, %select_n3A_587 : vector<16xf32>
    %eq3A_613 = arith.cmpf oeq, %gather3A_601, %select_n3A_587 : vector<16xf32>
    %lt3A_614 = arith.cmpi slt, %gather3A_611, %select_n3A_588 : vector<16xi32>
    %and3A_615 = arith.andi %eq3A_613, %lt3A_614 : vector<16xi1>
    %or3A_616 = arith.ori %gt3A_612, %and3A_615 : vector<16xi1>
    %select_n3A_617 = arith.select %or3A_616, %gather3A_601, %select_n3A_587 : vector<16xi1>, vector<16xf32>
    %select_n3A_618 = arith.select %or3A_616, %gather3A_611, %select_n3A_588 : vector<16xi1>, vector<16xi32>
    %eq3A_619 = arith.constant 1 : i32
    %eq3A_620 = vector.broadcast %eq3A_619 : i32 to vector<16xi32>
    %eq3A_621 = arith.cmpi eq, %iota3A, %eq3A_620 : vector<16xi32>
    %select_n3A_622 = arith.select %eq3A_621, %select_n3A_618, %select_n3A_338 : vector<16xi1>, vector<16xi32>
    %swap3A = arith.constant 0 : index
    %swap3A_623 = tpu.vector_load %arg5[%swap3A] {strides = array<i32>} : memref<16xi32, #tpu.memory_space<vmem>>, vector<16xi32>,
    %swap3A_624 = vector.shape_cast %swap3A_623 : vector<16xi32> to vector<16xi32>
    %swap3A_625 = vector.shape_cast %select_n3A_622 : vector<16xi32> to vector<16xi32>
    tpu.vector_store %arg5[%swap3A], %swap3A_625 {strides = array<i32>} : memref<16xi32, #tpu.memory_space<vmem>>, vector<16xi32>,
    "tpu.region"() ({
      %run_scoped3A = tpu.sem_alloc : memref<!tpu.dma_semaphore, #tpu.memory_space<semaphore_mem>>
      %dma_start3A_626 = arith.constant 0 : i32
      %dma_start3A_627 = tpu.memref_slice %arg3[%add3A, %dma_start3A_626] : memref<32x16xi32, #tpu.memory_space<hbm>> -> memref<1x16xi32, #tpu.memory_space<hbm>>
      %dma_start3A_628 = tpu.memref_squeeze %dma_start3A_627 : memref<1x16xi32, #tpu.memory_space<hbm>> -> memref<16xi32, #tpu.memory_space<hbm>>
      %dma_start3A_629 = arith.constant 0 : i32
      %dma_start3A_630 = tpu.memref_slice %arg3[%add3A, %dma_start3A_629] : memref<32x16xi32, #tpu.memory_space<hbm>> -> memref<1x16xi32, #tpu.memory_space<hbm>>
      %dma_start3A_631 = tpu.memref_squeeze %dma_start3A_630 : memref<1x16xi32, #tpu.memory_space<hbm>> -> memref<16xi32, #tpu.memory_space<hbm>>
      tpu.enqueue_dma source(%arg5 : memref<16xi32, #tpu.memory_space<vmem>>) target(%dma_start3A_631 : memref<16xi32, #tpu.memory_space<hbm>>) target_semaphore(%run_scoped3A : memref<!tpu.dma_semaphore, #tpu.memory_space<semaphore_mem>>)
      %dma_wait3A_632 = arith.constant 0 : i32
      %dma_wait3A_633 = tpu.memref_slice %arg3[%add3A, %dma_wait3A_632] : memref<32x16xi32, #tpu.memory_space<hbm>> -> memref<1x16xi32, #tpu.memory_space<hbm>>
      %dma_wait3A_634 = tpu.memref_squeeze %dma_wait3A_633 : memref<1x16xi32, #tpu.memory_space<hbm>> -> memref<16xi32, #tpu.memory_space<hbm>>
      %dma_wait3A_635 = arith.constant 0 : i32
      %dma_wait3A_636 = tpu.memref_slice %arg3[%add3A, %dma_wait3A_635] : memref<32x16xi32, #tpu.memory_space<hbm>> -> memref<1x16xi32, #tpu.memory_space<hbm>>
      %dma_wait3A_637 = tpu.memref_squeeze %dma_wait3A_636 : memref<1x16xi32, #tpu.memory_space<hbm>> -> memref<16xi32, #tpu.memory_space<hbm>>
      tpu.wait_dma2 semaphore(%run_scoped3A : memref<!tpu.dma_semaphore, #tpu.memory_space<semaphore_mem>>) src(%arg5 : memref<16xi32, #tpu.memory_space<vmem>>) dst(%dma_wait3A_637 : memref<16xi32, #tpu.memory_space<hbm>>)
      tpu.yield
    }) : () -> ()
    return
  }
}

module attributes {stable_mosaic.version = 14 : i64} {
  func.func @_tc_body(%arg0: i32, %arg1: memref<16x32768xf32, #tpu.memory_space<vmem>>, %arg2: memref<1x1x16xi32, #tpu.memory_space<vmem>>) attributes {dimension_semantics = [#tpu.dimension_semantics<arbitrary>], iteration_bounds = array<i64: 4>, scalar_prefetch = 0 : i64, scratch_operands = 0 : i64, tpu.core_type = #tpu.core_type<tc>, window_params = [{transform_indices = @transform_0, window_bounds = array<i64: 16, 32768>}, {transform_indices = @transform_1, window_bounds = array<i64: 1, 1, 16>}]} {
    %get3A = arith.constant 0 : index
    %get3A_0 = arith.constant 0 : index
    %get3A_1 = vector.load %arg1[%get3A, %get3A_0] : memref<16x32768xf32, #tpu.memory_space<vmem>>, vector<16x32768xf32>
    %reduce_max3A = arith.constant dense<0xFF800000> : vector<16xf32>
    %reduce_max3A_2 = vector.multi_reduction <maximumf>, %get3A_1, %reduce_max3A [1] : vector<16x32768xf32> to vector<16xf32>
    %broadcast_in_dim3A = vector.shape_cast %reduce_max3A_2 : vector<16xf32> to vector<16x1xf32>
    %iota3A = tpu.iota {dimensions = array<i32: 1>} : vector<16x32768xi32>
    %eq3A = vector.broadcast %broadcast_in_dim3A : vector<16x1xf32> to vector<16x32768xf32>
    %eq3A_3 = arith.cmpf oeq, %get3A_1, %eq3A : vector<16x32768xf32>
    %jit3A = arith.constant 2147483647 : i32
    %broadcast_in_dim3A_4 = vector.broadcast %jit3A : i32 to vector<16x32768xi32>
    %select_n3A = arith.select %eq3A_3, %iota3A, %broadcast_in_dim3A_4 : vector<16x32768xi1>, vector<16x32768xi32>
    %reduce_min3A = arith.constant dense<2147483647> : vector<16xi32>
    %reduce_min3A_5 = vector.multi_reduction <minsi>, %select_n3A, %reduce_min3A [1] : vector<16x32768xi32> to vector<16xi32>
    %reshape3A = vector.shape_cast %reduce_min3A_5 : vector<16xi32> to vector<1x1x16xi32>
    %swap3A = arith.constant 0 : index
    %swap3A_6 = arith.constant 0 : index
    %swap3A_7 = arith.constant 0 : index
    %swap3A_8 = vector.load %arg2[%swap3A, %swap3A_6, %swap3A_7] : memref<1x1x16xi32, #tpu.memory_space<vmem>>, vector<1x1x16xi32>
    tpu.vector_store %arg2[%swap3A, %swap3A_6, %swap3A_7], %reshape3A {strides = array<i32>} : memref<1x1x16xi32, #tpu.memory_space<vmem>>, vector<1x1x16xi32>,
    return
  }
  func.func @transform_0(%arg0: i32) -> (i32, i32) {
    %c0_i32 = arith.constant 0 : i32
    %c0_i32_0 = arith.constant 0 : i32
    return %arg0, %c0_i32 : i32, i32
  }
  func.func @transform_1(%arg0: i32) -> (i32, i32, i32) {
    %c0_i32 = arith.constant 0 : i32
    %c0_i32_0 = arith.constant 0 : i32
    %c0_i32_1 = arith.constant 0 : i32
    return %arg0, %c0_i32, %c0_i32_0 : i32, i32, i32
  }
}

</mosaic_0001>

<sc_bundles>
// kernel: kernel.4.cloned.1.call-start
scs
__scs_entry_jumppad:
0x0: {  	(pc) =	sbr.rel $0x88, $3  }
0x1: {  	(tag) =	ssettag $0x0;
	lr =	simm.s32 $0x1  }
0x2: {  	[smem:$0x3FA0] =	sst lr;
	_ =	strace $0xD0000000  }
0x3: {  	_ = 	snop  }
0x4: {  	_ = 	snop  }
0x5: {  	_ = 	snop  }
0x6: {  	_ = 	snop  }
0x7: {  	_ = 	snop  }
__scs_overlays_trampoline_lowered:
0x8: {  	[smem:$0x3FAF] =	sst s0  }
0x9: {  	[smem:$0x3FB0] =	sst s1  }
0xa: {  	[smem:$0x3FB1] =	sst s2  }
0xb: {  	[smem:$0x3FB2] =	sst s3  }
0xc: {  	[smem:$0x3FB3] =	sst s4  }
0xd: {  	[smem:$0x3FB4] =	sst s5  }
0xe: {  	[smem:$0x3FB5] =	sst s6  }
0xf: {  	[smem:$0x3FB6] =	sst s7  }
0x10: {  	[smem:$0x3FB7] =	sst s8  }
0x11: {  	[smem:$0x3FB8] =	sst s9;
	s0 =	simm.s32 @!p0 $0x0  }
0x12: {  	s1 =	sld [smem:$0x3F9E];
	s0 =	simm.s32 @p0 $0x1  }
0x13: {  	[smem:$0x3FB9] =	sst s0;
	s0 =	simm.s32 @!p1 $0x0  }
0x14: {  	s2 =	sld [smem:$0x3F9D];
	s0 =	simm.s32 @p1 $0x1  }
0x15: {  	[smem:$0x3FBA] =	sst s0;
	s0 =	simm.s32 @!p2 $0x0  }
0x16: {  	s3 =	sld [smem:$0x3FDB];
	s0 =	simm.s32 @p2 $0x1  }
0x17: {  	s4 =	simm.s32 $0x1BF5;
	[smem:$0x3FBC] =	sst s0  }
0x18: {  	s0 =	sld [smem:$0x3F9F];
	_ =	swait.ge [sflag:s4], $0x0  }
0x19: {  	s7 =	sld [smem:$0x3FA0]  }
0x1a: {  	s8 =	sadd.s32 $0xFFFFE003, lr  }
0x1b: {  	s9 =	sadd.s32 $0xFFFFFEF7, lr;
	s5 =	simm.s32 $0xFFFFFFFF;
	p2 =	slt.u32 s8, $0xFFFFF086  }
0x1c: {  	p1 =	slt.u32 s9, $0xF7A;
	s5 =	simm.s32 @!p2 $0x0  }
0x1d: {  	s5 =	simm.s32 @p1 $0x1;
	p0 =	seq.s32 s7, s2  }
0x1e: {  	s7 =	smul.u32 @!p0 $0xF7A, s2;
	p2 =	seq.s32 @!p0 s5, $0x0  }
0x1f: {  	s9 =	smul.u32 $0xF7A, s1;
	s8 =	simm.s32 @!p0 $0x1BF5;
	p2 =	por !p2, p0  }
0x20: {  	[sflag:s8] =	ssyncset.s32 @!p0 $0xFFFFF086;
	s6 =	sadd.s32 @!p0 s3, s7;
	s7 =	simm.s32 @!p0 $0x108  }
0x21: {  	s3 =	sadd.s32 s3, s9;
	s6 =	sadd.s32 @!p0 $0x88, s6;
	s7 =	simm.s32 @p2 $0x1082  }
0x22: {  	[simem:s7], [sflag:s8] =	dma.local @!p0 [hbm:s6], $0xF7A  }
0x23: {  	s9 =	sor.u32 $0xD0000000, s2;
	s6 =	simm.s32 $0x108;
	_ =	swait.ge @!p0 [sflag:s8], $0x0  }
0x24: {  	s3 =	sadd.s32 $0x88, s3;
	s6 =	simm.s32 @!p1 $0x1082;
	[sflag:s4] =	ssyncset.s32 $0xFFFFF086  }
0x25: {  	[simem:s6], [sflag:s4] =	dma.local [hbm:s3], $0xF7A  }
0x26: {  	[smem:$0x3FA0] =	sst s1;
	(tag) =	ssettag s2;
	_ =	strace s9  }
0x27: {  	s1 =	sld [smem:$0x3FB0]  }
0x28: {  	s2 =	sld [smem:$0x3FB1]  }
0x29: {  	s4 =	sld [smem:$0x3FB3]  }
0x2a: {  	p0 =	seq.s32 s5, $0x0;
	s5 =	sld [smem:$0x3FB4]  }
0x2b: {  	s6 =	sld [smem:$0x3FB5]  }
0x2c: {  	s7 =	sld [smem:$0x3FB6]  }
0x2d: {  	s3 =	simm.s32 $0x108;
	s8 =	sld [smem:$0x3FB7]  }
0x2e: {  	s3 =	simm.s32 @!p0 $0x1082;
	s9 =	sld [smem:$0x3FB8]  }
0x2f: {  	lr =	sadd.s32 s0, s3;
	s0 =	sld [smem:$0x3FAF]  }
0x30: {  	s3 =	sld [smem:$0x3FB2]  }
0x31: {  	[smem:$0x3FBB] =	sst s10  }
0x32: {  	s10 =	sld [smem:$0x3FB9];
	_ =	sdelay $0x3  }
0x33: {  	p0 =	seq.s32 s10, $0x1;
	s10 =	sld [smem:$0x3FBB];
	_ =	sdelay $0x3  }
0x34: {  	[smem:$0x3FBB] =	sst s10  }
0x35: {  	s10 =	sld [smem:$0x3FBA];
	_ =	sdelay $0x3  }
0x36: {  	p1 =	seq.s32 s10, $0x1;
	s10 =	sld [smem:$0x3FBB];
	_ =	sdelay $0x3  }
0x37: {  	[smem:$0x3FBB] =	sst s10  }
0x38: {  	s10 =	sld [smem:$0x3FBC]  }
0x39: {  	_ = 	snop;
	(pc) =	sbr.ind lr, $3  }
0x3a: {  	_ = 	snop  }
0x3b: {  	_ = 	snop  }
0x3c: {  	p2 =	seq.s32 s10, $0x1;
	s10 =	sld [smem:$0x3FBB]  }
0x3d: {  	_ =	shalt  }
0x3e: {  	_ =	shalt  }
0x3f: {  	_ =	shalt  }
0x40: {  	_ =	shalt  }
0x41: {  	_ =	shalt  }
0x42: {  	_ =	shalt  }
0x43: {  	_ =	shalt  }
0x44: {  	_ =	shalt  }
0x45: {  	_ =	shalt  }
0x46: {  	_ =	shalt  }
0x47: {  	_ =	shalt  }
0x48: {  	_ =	shalt  }
0x49: {  	_ =	shalt  }
0x4a: {  	_ =	shalt  }
0x4b: {  	_ =	shalt  }
0x4c: {  	_ =	shalt  }
0x4d: {  	_ =	shalt  }
0x4e: {  	_ =	shalt  }
0x4f: {  	_ =	shalt  }
0x50: {  	_ =	shalt  }
0x51: {  	_ =	shalt  }
0x52: {  	_ =	shalt  }
0x53: {  	_ =	shalt  }
0x54: {  	_ =	shalt  }
0x55: {  	_ =	shalt  }
0x56: {  	_ =	shalt  }
0x57: {  	_ =	shalt  }
0x58: {  	_ =	shalt  }
0x59: {  	_ =	shalt  }
0x5a: {  	_ =	shalt  }
0x5b: {  	_ =	shalt  }
0x5c: {  	_ =	shalt  }
0x5d: {  	_ =	shalt  }
0x5e: {  	_ =	shalt  }
0x5f: {  	_ =	shalt  }
0x60: {  	_ =	shalt  }
0x61: {  	_ =	shalt  }
0x62: {  	_ =	shalt  }
0x63: {  	_ =	shalt  }
0x64: {  	_ =	shalt  }
0x65: {  	_ =	shalt  }
0x66: {  	_ =	shalt  }
0x67: {  	_ =	shalt  }
0x68: {  	_ =	shalt  }
0x69: {  	_ =	shalt  }
0x6a: {  	_ =	shalt  }
0x6b: {  	_ =	shalt  }
0x6c: {  	_ =	shalt  }
0x6d: {  	_ =	shalt  }
0x6e: {  	_ =	shalt  }
0x6f: {  	_ =	shalt  }
0x70: {  	_ =	shalt  }
0x71: {  	_ =	shalt  }
0x72: {  	_ =	shalt  }
0x73: {  	_ =	shalt  }
0x74: {  	_ =	shalt  }
0x75: {  	_ =	shalt  }
0x76: {  	_ =	shalt  }
0x77: {  	_ =	shalt  }
0x78: {  	_ =	shalt  }
0x79: {  	_ =	shalt  }
0x7a: {  	_ =	shalt  }
0x7b: {  	_ =	shalt  }
0x7c: {  	_ =	shalt  }
0x7d: {  	_ =	shalt  }
0x7e: {  	_ =	shalt  }
0x7f: {  	_ =	shalt  }
0x80: {  	_ =	shalt  }
0x81: {  	_ =	shalt  }
0x82: {  	_ =	shalt  }
0x83: {  	_ =	shalt  }
0x84: {  	_ =	shalt  }
0x85: {  	_ =	shalt  }
0x86: {  	_ =	shalt  }
0x87: {  	_ =	shalt  }
.Lfunc_end0:
.L_simem_size_0:
called_computation_lowered:
.L_overlay_start_0:
0x88: {  	s2 =	sld [smem:$0x3FD9]  }
0x89: {  	s3 =	sld [smem:$0x3FFE];
	_ =	sdelay $0x1  }
0x8a: {  	s1 =	srdreg.scid  }
0x8b: {  	s0 =	sand.u32 $0x1, s1  }
0x8c: {  	s17 =	sshll.u32 s0, $0xA;
	s2 =	sadd.s32 s3, s2  }
0x8d: {  	s2 =	sadd.s32 s2, s17  }
0x8e: {  	[smem:$0x3FC7] =	sst s2  }
0x8f: {  	_ = 	snop  }
0x90: {  	s2 =	sld [smem:$0x3FC9];
	(tm) =	ssettm $0x1  }
0x91: {  	s18 =	sld [smem:$0x3FFB];
	_ =	sdelay $0x3  }
0x92: {  	_ =	strace s18  }
0x93: {  	s3 =	sld [smem:$0x3FFC];
	_ =	sdelay $0x3  }
0x94: {  	_ =	strace s3  }
0x95: {  	s3 =	sld [smem:$0x3FFD];
	_ =	sdelay $0x3  }
0x96: {  	_ =	strace s3  }
0x97: {  	_ =	strace $0x8FFFFFFF  }
0x98: {  	s19 =	sld [smem:$0x3FDB];
	_ =	sdelay $0x1  }
0x99: {  	s4 =	simm.s32 $_scs_section_size  }
0x9a: {  	s5 =	simm.s32 $_size__tile_overlayer_lowered;
	s6 =	simm.s32 $_tile_overlayer_lowered  }
0x9b: {  	s22 =	simm.s32 $0x1BFF;
	s21 =	sshll.u32 s6, $0x1;
	s3 =	sadd.s32 s4, s19  }
0x9c: {  	s7 =	simm.s32 $0x0;
	s20 =	sshll.u32 s5, $0x1;
	s5 =	sadd.s32 s21, s3  }
0x9d: {  	[timem:s7], [sflag:s22] =	dma.local [hbm:s5], s20  }
0x9e: {  	_ =	swait.ge [sflag:s22], s20  }
0x9f: {  	s4 =	ssub.s32 $0x0, s20;
	[sflag:s22] =	ssyncset.done $0x0  }
0xa0: {  	[sflag:s22] =	ssyncadd.s32 s4;
	_ =	sdelay $0x1  }
0xa1: {  	s23 =	simm.s32 $0x1B8B  }
0xa2: {  	_ =	swait.ge [sflag:s23], $0x1  }
0xa3: {  	[sflag:s23] =	ssyncset.done $0x0  }
0xa4: {  	s25 =	simm.s32 $0x1B8E;
	s24 =	sld [smem:$0x3FFE];
	[sflag:s23] =	ssyncadd.s32 $0xFFFFFFFF  }
0xa5: {  	s26 =	simm.s32 $execute0_lowered;
	[smem:$0x3FD2] =	sst s25  }
0xa6: {  	s5 =	sshll.u32 s26, $0x1;
	_ =	strace $0x80000046;
	[dreg:$0x1] =	wrdreg $0xFFFFFFFF  }
0xa7: {  	s28 =	simm.s32 $_size_execute0_lowered;
	s3 =	sadd.s32 s3, s5;
	[dreg:$0x0] =	wrdreg $0x0  }
0xa8: {  	s5 =	sshll.u32 s28, $0x1;
	[dreg:$0x2] =	wrdreg s3  }
0xa9: {  	[dreg:$0x3] =	wrdreg s5  }
0xaa: {  	[dreg:$0x4] =	wrdreg $0xC0  }
0xab: {  	_ =	task [dreg:s7], $0x5FFFF  }
0xac: {  	[dreg:$0x1] =	wrdreg $0xFFFFFFFF  }
0xad: {  	[dreg:$0x0] =	wrdreg $0x60  }
0xae: {  	[dreg:$0x2] =	wrdreg s2  }
0xaf: {  	[dreg:$0x3] =	wrdreg s24  }
0xb0: {  	[dreg:$0x4] =	wrdreg $0x9  }
0xb1: {  	_ =	task.clear_ibuf [dreg:s7], $0x5FFFF;
	_ =	strace $0x90000046  }
0xb2: {  	s29 =	simm.s32 $0x9;
	_ =	strace $0x80000048  }
0xb3: {  	_ =	swait.ge [sflag:s29], $0x1  }
0xb4: {  	[sflag:s29] =	ssyncadd.s32 $0xFFFFFFFF  }
0xb5: {  	_ =	strace $0x90000048  }
0xb6: {  	_ =	sfence  }
0xb7: {  	s30 =	sld [smem:$0x0];
	_ =	sdelay $0x2  }
0xb8: {  	s31 =	sshll.u32 s1, $0xD;
	s1 =	sshrl.u32 s1, $0x2  }
0xb9: {  	s3 =	sand.u32 $0x4000, s31;
	s1 =	sadd.s32 s1, s30  }
0xba: {  	s0 =	sor.u32 s3, s0;
	s1 =	sshll.u32 s1, $0x11  }
0xbb: {  	s0 =	sor.u32 s1, s0  }
0xbc: {  	s0 =	sadd.s32 $0x8F2B, s0  }
0xbd: {  	[sflag:s0] =	ssyncadd.remote.s32 $0x1  }
0xbe: {  	_ =	sfence.sel $0xFFFF  }
0xbf: {  	[dreg:$0x0] =	wrdreg $0xFFFFFFFF;
	(pc) =	sbr.abs _section_cstart, $3  }
0xc0: {  	[dreg:$0x1] =	wrdreg $0xFFFFFFFF  }
0xc1: {  	_ =	task.clear_ibuf [dreg:s7], $0x2FFFF;
	_ =	strace $0x9FFFFFFF  }
0xc2: {  	(tm) =	ssettm $0x7FFFFFFF  }
0xc3: {  	_ =	shalt  }
tec
execute0_lowered:
.L_overlay_start_1:
0x0: {  	(tag) =	ssettag $0x1  }
0x1: {  	s5 =	rddreg [dreg:$0x0]  }
0x2: {  	s1 =	srdreg.scid;
	s0 =	stileid.u32  }
0x3: {  	s3 =	rddreg [dreg:$0x1];
	s2 =	simm.s32 $0x0;
	v4 =	vimm.s32 $0xBA98FEDC;
	v5 =	vimm.s32 $0x76543210;
	s11 =	simm.s32 $0x3  }
0x4: {  	v0 =	vlaneseq.u32;
	v6 =	vimm.s32 $0xFEDCBA98;
	v9 =	vimm.s32 $0xDCFE98BA;
	s12 =	simm.s32 $0x4;
	s13 =	simm.s32 $0x10000;
	s14 =	simm.s32 $0x5  }
0x5: {  	v10 =	vimm.s32 $0x54761032;
	v11 =	vimm.s32 $0xEFCDAB89;
	s15 =	simm.s32 $0x0;
	s4 =	sand.u32 $0x1, s1;
	s1 =	rddreg [dreg:$0x2];
	v7 =	vunpack.c.l.s4.s8 v4  }
0x6: {  	v12 =	vimm.s32 $0x67452301;
	vm0 =	vcmask $0x308;
	s6 =	sshll.u32 s0, $0x1;
	[smem:$0x7FF] =	sst s2;
	v8 =	vunpack.c.l.s4.s8 v5;
	s31 =	sshll.u32 s0, $0x11  }
0x7: {  	v5 =	vunpack.c.l.s4.s8 v6;
	s6 =	sor.u32 s4, s6;
	s4 =	ssub.s32 $0x2, s4;
	_ =	strace $0x80000047;
	v6 =	vunpack.c.0.s8.s32 v7;
	v7 =	vimm.s32 $0x32107654  }
0x8: {  	v1 =	vor.u32 $0x10, v0;
	v2 =	vor.u32 $0x20, v0;
	s7 =	sshll.u32 s6, $0x4;
	s28 =	sshrl.u32 s4, $0x1;
	s29 =	sshll.u32 s6, $0x1;
	v7 =	vunpack.c.l.s4.s8 v7  }
0x9: {  	v3 =	vor.u32 $0x30, v0;
	v9 =	vunpack.c.l.s4.s8 v9;
	v10 =	vunpack.c.l.s4.s8 v10;
	s30 =	sshll.u32 s6, $0x8;
	s7 =	sadd.s32 s7, s3;
	s8 =	ssub.s32 s4, s28  }
0xa: {  	v11 =	vunpack.c.l.s4.s8 v11;
	v12 =	vunpack.c.l.s4.s8 v12;
	s9 =	sand.u32 $0x300, s30;
	s3 =	sor.u32 $0x41, s29;
	s4 =	sor.u32 s31, s30;
	v7 =	vunpack.c.0.s8.s32 v7  }
0xb: {  	v13 =	vunpack.c.0.s8.s32 v5;
	v9 =	vunpack.c.0.s8.s32 v9;
	v10 =	vunpack.c.0.s8.s32 v10;
	s10 =	sshll.u32 s3, $0xC;
	s3 =	sshll.u32 s3, $0x4;
	s4 =	sand.u32 $0x1C0300, s4  }
0xc: {  	s6 =	sor.u32 s31, s9;
	s7 =	sadd.s32 $0x200, s7;
	s8 =	smax.u32 s8, $0x1;
	v14 =	vcombine.low v7, v6;
	v7 =	vunpack.c.0.s8.s32 v11;
	v11 =	vunpack.c.0.s8.s32 v12  }
0xd: {  	v4 =	vor.u32 $0x4000, v0;
	v8 =	vunpack.c.0.s8.s32 v8;
	v10 =	vcombine.low v10, v9;
	s9 =	simm.s32 $0x1;
	s3 =	sor.u32 s3, s10;
	s4 =	sshrl.u32 s4, $0x3  }
0xe: {  	v5 =	vor.u32 $0x4010, v0;
	v9 =	vand.u32 $0xF, v13;
	s6 =	sshrl.u32 s6, $0x3;
	s10 =	simm.s32 $0x2;
	s3 =	sand.u32 $0xFFF8070, s3;
	v11 =	vcombine.low v11, v7  }
0xf: {  	v8 =	vcombine.low v9, v8;
	s4 =	sadd.s32 s4, s5;
	s6 =	sor.u32 $0x44000, s6;
	v10 =	vand.u32 $0xF, v10;
	s3 =	sadd.s32 s5, s3;
	v6 =	vor.u32 $0x4020, v0  }
0x10: {  	s4 =	sadd.s32 $0x40000, s4;
	s5 =	sadd.s32 s5, s6;
	s6 =	sadd.s32 $0x4000, s3;
	v7 =	vor.u32 $0x4030, v0;
	v9 =	vand.u32 $0xF, v14;
	v11 =	vand.u32 $0xF, v11  }
.LBB2_1:
0x11: {  	s16 =	simm.s32 $0x80  }
0x12: {  	s19 =	sadd.s32 $0x0, s4;
	s17 =	simm.s32 $0x100;
	s18 =	simm.s32 $0x0  }
.LBB2_2:
0x13: {  	[tilespmem:s18], [sflag:$0x1] =	stream.linear.gather [hbm4b:s19+s2], $0x80, $0x38;
	[tilespmem:$0x10080] =	vst v63  }
0x14: {  	s19 =	smov.u32 s16;
	s18 =	smov.u32 s17;
	p0 =	sne.s32 s16, $0x3F80  }
.Ltmp0:
0x15: {  	s16 =	sadd.s32 $0x80, s16;
	(pc) =	sbr.rel @p0 .LBB2_2-.Ltmp0, $2  }
0x16: {  	_ =	sdelay $0x2  }
0x17: {  	s17 =	sadd.s32 $0x100, s17;
	s19 =	sadd.s32 s19, s4  }
0x18: {  	[tilespmem:s18], [sflag:$0x1] =	stream.linear.gather [hbm4b:s19+s2], $0x80, $0x38;
	[tilespmem:$0x10080] =	vst v63  }
0x19: {  	s16 =	simm.s32 $0x8000  }
0x1a: {  	s17 =	simm.s32 $0x80;
	s19 =	sadd.s32 $0x0, s5;
	s18 =	simm.s32 $0x8100  }
.LBB2_4:
0x1b: {  	[tilespmem:s16], [sflag:$0x2] =	stream.linear.gather [hbm4b:s19+s2], $0x80, $0x38;
	[tilespmem:$0x10080] =	vst v63  }
0x1c: {  	s19 =	smov.u32 s17;
	s16 =	smov.u32 s18;
	p0 =	sne.s32 s17, $0x3F80  }
.Ltmp1:
0x1d: {  	s17 =	sadd.s32 $0x80, s17;
	(pc) =	sbr.rel @p0 .LBB2_4-.Ltmp1, $2  }
0x1e: {  	_ =	sdelay $0x2  }
0x1f: {  	s18 =	sadd.s32 $0x100, s18;
	s19 =	sadd.s32 s19, s5  }
0x20: {  	[tilespmem:s16], [sflag:$0x2] =	stream.linear.gather [hbm4b:s19+s2], $0x80, $0x38;
	[tilespmem:$0x10080] =	vst v63  }
0x21: {  	s16 =	simm.s32 $0x80  }
0x22: {  	s17 =	simm.s32 $0x80;
	s19 =	sadd.s32 $0x0, s3;
	s18 =	simm.s32 $0x180  }
.LBB2_6:
0x23: {  	[tilespmem:s16], [sflag:$0x3] =	stream.linear.gather [hbm4b:s19+s2], $0x80, $0x38;
	[tilespmem:$0x10080] =	vst v63  }
0x24: {  	s19 =	smov.u32 s17;
	s16 =	smov.u32 s18;
	p0 =	sne.s32 s17, $0x3F80  }
.Ltmp2:
0x25: {  	s17 =	sadd.s32 $0x80, s17;
	(pc) =	sbr.rel @p0 .LBB2_6-.Ltmp2, $2  }
0x26: {  	_ =	sdelay $0x2  }
0x27: {  	s18 =	sadd.s32 $0x100, s18;
	s19 =	sadd.s32 s19, s3  }
0x28: {  	[tilespmem:s16], [sflag:$0x3] =	stream.linear.gather [hbm4b:s19+s2], $0x80, $0x38;
	[tilespmem:$0x10080] =	vst v63  }
0x29: {  	s16 =	simm.s32 $0x8080  }
0x2a: {  	s17 =	simm.s32 $0x80;
	s19 =	sadd.s32 $0x0, s6;
	s18 =	simm.s32 $0x8180  }
.LBB2_8:
0x2b: {  	[tilespmem:s16], [sflag:$0x4] =	stream.linear.gather [hbm4b:s19+s2], $0x80, $0x38;
	[tilespmem:$0x10080] =	vst v63  }
0x2c: {  	s19 =	smov.u32 s17;
	s16 =	smov.u32 s18;
	p0 =	sne.s32 s17, $0x3F80  }
.Ltmp3:
0x2d: {  	s17 =	sadd.s32 $0x80, s17;
	(pc) =	sbr.rel @p0 .LBB2_8-.Ltmp3, $2  }
0x2e: {  	_ =	sdelay $0x2  }
0x2f: {  	s18 =	sadd.s32 $0x100, s18;
	s19 =	sadd.s32 s19, s6  }
0x30: {  	[tilespmem:s16], [sflag:$0x4] =	stream.linear.gather [hbm4b:s19+s2], $0x80, $0x38;
	[tilespmem:$0x10080] =	vst v63  }
0x31: {  	_ =	swait.ge [sflag:s9], $0x4000  }
0x32: {  	[sflag:s9] =	ssyncset.done $0x0  }
0x33: {  	s31 =	simm.s32 $0x40;
	[sflag:s9] =	ssyncadd.s32 $0xFFFFC000  }
0x34: {  	v12 =	vld [tilespmem:s31+$0xFFFFFFC0]  }
0x35: {  	v19 =	vld [tilespmem:s31+$0xFFFFFFE0]  }
0x36: {  	v20 =	vld [tilespmem:s31+$0xFFFFFFF0]  }
0x37: {  	v13 =	vld [tilespmem:s31+$0x0]  }
0x38: {  	v15 =	vld [tilespmem:s31+$0xFFFFFFD0]  }
0x39: {  	v24 =	vld [tilespmem:s31+$0x20]  }
0x3a: {  	v18 =	vimm.f32 $-Inf;
	v25 =	vld [tilespmem:s31+$0x30]  }
0x3b: {  	s19 =	simm.s32 $0x140;
	v17 =	vld [tilespmem:s31+$0x10];
	vm1 =	vgt.f32 v12, v18;
	vm3 =	vgt.f32 v19, v18;
	vm4 =	vgt.f32 v20, v18  }
0x3c: {  	s17 =	simm.s32 $0x0;
	v21 =	vld [tilespmem:s19+$0x0];
	v14 =	vsel vm1, v12, v18;
	v12 =	vimm.s32 $0x0;
	v27 =	vsel vm3, v19, v18  }
0x3d: {  	v22 =	vld [tilespmem:s19+$0xFFFFFFC0];
	v20 =	vsel vm4, v20, v18;
	vm2 =	vgt.f32 v13, v14;
	v16 =	vsel vm1, s17, v12  }
0x3e: {  	s18 =	simm.s32 $0x1;
	vm1 =	vgt.f32 v15, v18;
	vm5 =	vgt.f32 v24, v27;
	v23 =	vsel vm2, v13, v14;
	v14 =	vld [tilespmem:s19+$0x10]  }
0x3f: {  	vm6 =	vgt.f32 v25, v20;
	v16 =	vsel vm2, s18, v16;
	v26 =	vsel vm1, v15, v18;
	v13 =	vld [tilespmem:s19+$0xFFFFFFD0]  }
0x40: {  	v15 =	vld [tilespmem:s19+$0xFFFFFFE0];
	v18 =	vsel vm5, v24, v27;
	v20 =	vsel vm6, v25, v20;
	vm2 =	vgt.f32 v17, v26  }
0x41: {  	s16 =	simm.s32 $0x2;
	s20 =	simm.s32 $0x4;
	v25 =	vimm.s32 $0x0;
	v24 =	vimm.s32 $0x0;
	v19 =	vsel vm2, v17, v26;
	v17 =	vld [tilespmem:s19+$0xFFFFFFF0]  }
.LBB2_10:
0x42: {  	p0 =	sne.s32 s20, $0xFE;
	vm7 =	vgt.f32 v22, v23;
	v26 =	vld [tilespmem:s19+$0x20];
	v12 =	vsel vm3, s17, v12;
	v25 =	vsel vm4, s17, v25  }
0x43: {  	v23 =	vsel vm7, v22, v23;
	v27 =	vld [tilespmem:s19+$0x30];
	s19 =	sadd.s32 $0x100, s19;
	v12 =	vsel vm5, s18, v12;
	v25 =	vsel vm6, s18, v25;
	v28 =	vmovc v14  }
0x44: {  	s21 =	sadd.s32 $0x1, s16;
	v24 =	vsel vm1, s17, v24;
	s17 =	smov.u32 s16;
	v14 =	vsel vm7, s16, v16;
	s16 =	smov.u32 s20;
	v29 =	vld [tilespmem:s19+$0x0];
	vm3 =	vgt.f32 v21, v23  }
.Ltmp4:
0x45: {  	v24 =	vsel vm2, s18, v24;
	s18 =	smov.u32 s21;
	v22 =	vld [tilespmem:s19+$0xFFFFFFC0];
	v23 =	vsel vm3, v21, v23;
	v16 =	vsel vm3, s21, v14;
	(pc) =	sbr.rel @p0 .LBB2_10-.Ltmp4, $4  }
0x46: {  	vm1 =	vgt.f32 v13, v19;
	vm3 =	vgt.f32 v15, v18;
	v14 =	vld [tilespmem:s19+$0x10];
	vm4 =	vgt.f32 v17, v20  }
0x47: {  	v19 =	vsel vm1, v13, v19;
	v18 =	vsel vm3, v15, v18;
	v13 =	vld [tilespmem:s19+$0xFFFFFFD0];
	v20 =	vsel vm4, v17, v20  }
0x48: {  	vm2 =	vgt.f32 v28, v19;
	vm5 =	vgt.f32 v26, v18;
	v15 =	vld [tilespmem:s19+$0xFFFFFFE0];
	vm6 =	vgt.f32 v27, v20  }
0x49: {  	s20 =	sadd.s32 $0x2, s20;
	v19 =	vsel vm2, v28, v19;
	v18 =	vsel vm5, v26, v18;
	v17 =	vld [tilespmem:s19+$0xFFFFFFF0];
	v20 =	vsel vm6, v27, v20;
	v21 =	vmovc v29  }
0x4a: {  	v26 =	vld [tilespmem:s19+$0x20];
	vm7 =	vgt.f32 v22, v23  }
0x4b: {  	v27 =	vld [tilespmem:s19+$0x30];
	v12 =	vsel vm3, s17, v12;
	v25 =	vsel vm4, s17, v25;
	_ =	swait.ge [sflag:s10], $0x4000;
	v24 =	vsel vm1, s17, v24  }
0x4c: {  	v31 =	vimm.f32 $-Inf;
	v22 =	vsel vm7, v22, v23;
	v23 =	vsel vm5, s18, v12;
	[sflag:s10] =	ssyncset.done $0x0  }
0x4d: {  	s20 =	simm.s32 $0x0;
	v25 =	vsel vm6, s18, v25;
	v16 =	vsel vm7, s16, v16;
	vm3 =	vgt.f32 v21, v22;
	[sflag:s10] =	ssyncadd.s32 $0xFFFFC000  }
0x4e: {  	s31 =	sadd.s32 $0x1, s16;
	vm1 =	vgt.f32 v13, v19;
	v12 =	vsel vm3, v21, v22;
	v22 =	vsel vm2, s18, v24;
	v24 =	vld [tilespmem:s20+$0x8000]  }
0x4f: {  	v16 =	vsel vm3, s31, v16;
	vm2 =	vgt.f32 v15, v18;
	v13 =	vsel vm1, v13, v19;
	v29 =	vld [tilespmem:s20+$0x8040]  }
0x50: {  	v32 =	vld [tilespmem:s20+$0x8020];
	vm3 =	vgt.f32 v17, v20;
	v15 =	vsel vm2, v15, v18;
	vm4 =	vgt.f32 v14, v13  }
0x51: {  	v35 =	vld [tilespmem:s20+$0x8030];
	v19 =	vsel vm1, s16, v22;
	v17 =	vsel vm3, v17, v20;
	vm5 =	vgt.f32 v26, v15  }
0x52: {  	v21 =	vld [tilespmem:s20+$0x8050];
	v14 =	vsel vm4, v14, v13;
	v18 =	vsel vm3, s16, v25;
	v25 =	vimm.s32 $0x0  }
0x53: {  	v20 =	vld [tilespmem:s20+$0x8010];
	v19 =	vsel vm4, s31, v19;
	vm6 =	vgt.f32 v27, v17;
	v13 =	vsel vm5, v26, v15  }
0x54: {  	v28 =	vld [tilespmem:s20+$0x8070];
	v15 =	vsel vm6, v27, v17;
	v17 =	vsel vm2, s16, v23;
	vm2 =	vgt.f32 v24, v31  }
0x55: {  	s17 =	simm.s32 $0x100;
	v18 =	vsel vm6, s31, v18;
	v23 =	vld [tilespmem:s20+$0x8060];
	v17 =	vsel vm5, s31, v17;
	v24 =	vsel vm2, v24, v31  }
0x56: {  	s16 =	simm.s32 $0x0;
	v27 =	vld [tilespmem:s17+$0x8040];
	vm4 =	vgt.f32 v32, v31;
	vm3 =	vgt.f32 v35, v31;
	vm1 =	vgt.f32 v29, v24  }
0x57: {  	s18 =	simm.s32 $0x1;
	v22 =	vsel vm2, s16, v25;
	v34 =	vsel vm4, v32, v31;
	v30 =	vsel vm1, v29, v24;
	v29 =	vld [tilespmem:s17+$0x8000]  }
0x58: {  	v35 =	vsel vm3, v35, v31;
	v26 =	vsel vm1, s18, v22;
	vm1 =	vgt.f32 v20, v31;
	v22 =	vld [tilespmem:s17+$0x8050]  }
0x59: {  	v32 =	vimm.s32 $0x0;
	vm6 =	vgt.f32 v28, v35;
	v24 =	vld [tilespmem:s17+$0x8020];
	v33 =	vsel vm1, v20, v31  }
0x5a: {  	s19 =	simm.s32 $0x1;
	s20 =	simm.s32 $0x800;
	v20 =	vld [tilespmem:s17+$0x8010];
	vm5 =	vgt.f32 v23, v34;
	v31 =	vimm.s32 $0x0;
	vm2 =	vgt.f32 v21, v33  }
.LBB2_12:
0x5b: {  	p0 =	sne.s32 s20, $0x1FC00;
	v36 =	vld [tilespmem:s17+$0x8030];
	v33 =	vsel vm2, v21, v33;
	v34 =	vsel vm5, v23, v34;
	v35 =	vsel vm6, v28, v35;
	v37 =	vmovc v27  }
0x5c: {  	v38 =	vsel vm4, s16, v25;
	v27 =	vsel vm3, s16, v32;
	s18 =	sadd.s32 $0x2, s18;
	vm7 =	vgt.f32 v29, v30;
	v23 =	vld [tilespmem:s17+$0x8060]  }
0x5d: {  	s21 =	sadd.s32 $0xFFFFFFFF, s18;
	v25 =	vsel vm5, s19, v38;
	v32 =	vsel vm6, s19, v27;
	v30 =	vsel vm7, v29, v30;
	v28 =	vld [tilespmem:s17+$0x8070];
	s17 =	sshra.s32 s20, $0x2;
	v21 =	vmovc v22  }
.Ltmp5:
0x5e: {  	v31 =	vsel vm1, s16, v31;
	v22 =	vsel vm7, s21, v26;
	s16 =	smov.u32 s21;
	v27 =	vld [tilespmem:s17+$0x8040];
	vm3 =	vgt.f32 v37, v30;
	(pc) =	sbr.rel @p0 .LBB2_12-.Ltmp5, $4  }
0x5f: {  	v31 =	vsel vm2, s19, v31;
	s19 =	smov.u32 s18;
	v29 =	vld [tilespmem:s17+$0x8000];
	v30 =	vsel vm3, v37, v30;
	v26 =	vsel vm3, s18, v22  }
0x60: {  	vm1 =	vgt.f32 v20, v33;
	vm4 =	vgt.f32 v24, v34;
	v22 =	vld [tilespmem:s17+$0x8050];
	vm3 =	vgt.f32 v36, v35  }
0x61: {  	v33 =	vsel vm1, v20, v33;
	v34 =	vsel vm4, v24, v34;
	v20 =	vld [tilespmem:s17+$0x8010];
	v35 =	vsel vm3, v36, v35  }
0x62: {  	s20 =	sadd.s32 $0x400, s20;
	vm2 =	vgt.f32 v21, v33;
	vm5 =	vgt.f32 v23, v34;
	v24 =	vld [tilespmem:s17+$0x8020];
	vm6 =	vgt.f32 v28, v35  }
0x63: {  	v21 =	vsel vm2, v21, v33;
	v23 =	vsel vm5, v23, v34  }
0x64: {  	v28 =	vsel vm6, v28, v35;
	v25 =	vsel vm4, s16, v25;
	v32 =	vsel vm3, s16, v32  }
0x65: {  	v31 =	vsel vm1, s16, v31;
	v16 =	vshll.u32 v16, $0x6;
	v19 =	vshll.u32 v19, $0x6  }
0x66: {  	v17 =	vshll.u32 v17, $0x6;
	v18 =	vshll.u32 v18, $0x6;
	vm7 =	vgt.f32 v29, v30  }
0x67: {  	v62 =	vld [tilespmem:s17+$0x8030];
	s18 =	sadd.s32 $0x2, s18;
	v25 =	vsel vm5, s19, v25;
	v32 =	vsel vm6, s19, v32;
	v16 =	vor.u32 v0, v16  }
0x68: {  	v63 =	vld [tilespmem:s17+$0x8060];
	s20 =	sadd.s32 $0xFFFFFFFF, s18;
	v19 =	vor.u32 v1, v19;
	v17 =	vor.u32 v2, v17;
	v29 =	vsel vm7, v29, v30  }
0x69: {  	v18 =	vor.u32 v3, v18;
	v30 =	vld [tilespmem:s17+$0x8070];
	v26 =	vsel vm7, s20, v26;
	vm3 =	vgt.f32 v27, v29  }
0x6a: {  	vm1 =	vgt.f32 v20, v21;
	v27 =	vsel vm3, v27, v29;
	v26 =	vsel vm3, s18, v26  }
0x6b: {  	v29 =	vsel vm2, s19, v31;
	vm2 =	vgt.f32 v24, v23;
	v20 =	vsel vm1, v20, v21  }
0x6c: {  	vm3 =	vgt.f32 v62, v28;
	v21 =	vsel vm2, v24, v23;
	vm4 =	vgt.f32 v22, v20  }
0x6d: {  	v23 =	vsel vm3, v62, v28;
	vm5 =	vgt.f32 v63, v21;
	v20 =	vsel vm4, v22, v20  }
0x6e: {  	v24 =	vsel vm3, s20, v32;
	vm3 =	vlt.s32 v19, v16;
	vm6 =	vgt.f32 v30, v23  }
0x6f: {  	v21 =	vsel vm5, v63, v21;
	v22 =	vsel vm6, v30, v23;
	v23 =	vsel vm2, s20, v25  }
0x70: {  	v25 =	vsel vm1, s20, v29;
	v24 =	vsel vm6, s18, v24;
	vm1 =	vgt.f32 v14, v12  }
0x71: {  	vm2 =	veq.f32 v14, v12;
	v23 =	vsel vm5, s18, v23;
	v25 =	vsel vm4, s18, v25  }
0x72: {  	vm2 =	vmand vm2, vm3;
	vm3 =	veq.f32 v15, v13;
	vm4 =	vlt.s32 v18, v17  }
0x73: {  	vm1 =	vmor vm1, vm2;
	vm2 =	vgt.f32 v15, v13;
	vm3 =	vmand vm3, vm4  }
0x74: {  	vm4 =	veq.f32 v20, v27;
	v12 =	vsel vm1, v14, v12;
	v14 =	vsel vm1, v19, v16  }
0x75: {  	vm1 =	vmor vm2, vm3;
	v16 =	vshll.u32 v26, $0x6;
	v19 =	vshll.u32 v24, $0x6  }
0x76: {  	vm3 =	vgt.f32 v20, v27;
	v13 =	vsel vm1, v15, v13;
	v15 =	vsel vm1, v18, v17  }
0x77: {  	v16 =	vadd.s32 v4, v16;
	v17 =	vshll.u32 v25, $0x6;
	v18 =	vshll.u32 v23, $0x6  }
0x78: {  	v19 =	vadd.s32 v7, v19;
	vm1 =	vgt.f32 v13, v12;
	v17 =	vadd.s32 v5, v17  }
0x79: {  	vm2 =	veq.f32 v13, v12;
	v18 =	vadd.s32 v6, v18;
	vm5 =	vlt.s32 v17, v16  }
0x7a: {  	vm6 =	vlt.s32 v19, v18;
	vm4 =	vmand vm4, vm5;
	vm5 =	veq.f32 v22, v21  }
0x7b: {  	vm3 =	vmor vm3, vm4;
	vm4 =	vgt.f32 v22, v21;
	vm5 =	vmand vm5, vm6  }
0x7c: {  	vm6 =	vlt.s32 v15, v14;
	v20 =	vsel vm3, v20, v27;
	vm4 =	vmor vm4, vm5  }
0x7d: {  	v16 =	vsel vm3, v17, v16;
	v17 =	vsel vm4, v22, v21;
	v18 =	vsel vm4, v19, v18  }
0x7e: {  	vm2 =	vmand vm2, vm6;
	vm3 =	veq.f32 v17, v20;
	vm4 =	vlt.s32 v18, v16  }
0x7f: {  	vm1 =	vmor vm1, vm2;
	vm2 =	vgt.f32 v17, v20;
	vm3 =	vmand vm3, vm4  }
0x80: {  	v12 =	vsel vm1, v13, v12;
	vm2 =	vmor vm2, vm3  }
0x81: {  	v13 =	vsel vm1, v15, v14;
	v14 =	vsel vm2, v17, v20;
	v15 =	vsel vm2, v18, v16  }
0x82: {  	vm1 =	veq.f32 v14, v12;
	vm2 =	vlt.s32 v15, v13  }
0x83: {  	vm3 =	vgt.f32 v14, v12;
	vm1 =	vmand vm1, vm2  }
0x84: {  	vm1 =	vmor vm3, vm1  }
0x85: {  	v12 =	vsel vm1, v14, v12;
	v13 =	vsel vm1, v15, v13  }
0x86: {  	v14 =	vperm.xlane v12, v8;
	v15 =	vperm.xlane v13, v8;
	_ =	sdelay $0x1  }
0x87: {  	vm1 =	veq.f32 v14, v12;
	vm2 =	vlt.s32 v15, v13  }
0x88: {  	vm3 =	vgt.f32 v14, v12;
	vm1 =	vmand vm1, vm2  }
0x89: {  	vm1 =	vmor vm3, vm1  }
0x8a: {  	_ =	swait.ge [sflag:s11], $0x4000;
	v12 =	vsel vm1, v14, v12;
	v13 =	vsel vm1, v15, v13  }
0x8b: {  	[sflag:s11] =	ssyncset.done $0x0;
	v14 =	vperm.xlane v12, v9;
	v15 =	vperm.xlane v13, v9  }
0x8c: {  	s31 =	simm.s32 $0xF0;
	[sflag:s11] =	ssyncadd.s32 $0xFFFFC000  }
0x8d: {  	v24 =	vld [tilespmem:s31+$0xFFFFFFC0];
	vm1 =	veq.f32 v14, v12;
	vm2 =	vlt.s32 v15, v13  }
0x8e: {  	vm3 =	vgt.f32 v14, v12;
	vm1 =	vmand vm1, vm2  }
0x8f: {  	v29 =	vld [tilespmem:s31+$0x0];
	vm1 =	vmor vm3, vm1  }
0x90: {  	v12 =	vsel vm1, v14, v12;
	v14 =	vsel vm1, v15, v13  }
0x91: {  	v22 =	vimm.f32 $-Inf;
	v15 =	vld [tilespmem:s31+$0xFFFFFF90];
	v13 =	vperm.xlane v12, v10;
	v16 =	vperm.xlane v14, v10  }
0x92: {  	v23 =	vld [tilespmem:s31+$0xFFFFFFB0];
	vm4 =	vgt.f32 v24, v22  }
0x93: {  	v24 =	vsel vm4, v24, v22;
	v17 =	vld [tilespmem:s31+$0xFFFFFFD0];
	vm1 =	veq.f32 v13, v12;
	vm2 =	vlt.s32 v16, v14  }
0x94: {  	v19 =	vld [tilespmem:s31+$0xFFFFFFA0];
	vm6 =	vgt.f32 v29, v24;
	vm3 =	vgt.f32 v13, v12;
	vm1 =	vmand vm1, vm2  }
0x95: {  	v28 =	vld [tilespmem:s31+$0xFFFFFFF0];
	v24 =	vsel vm6, v29, v24;
	vm1 =	vmor vm3, vm1  }
0x96: {  	s19 =	simm.s32 $0x1F0;
	v21 =	vld [tilespmem:s31+$0xFFFFFFE0];
	v29 =	vimm.s32 $0x0;
	vm2 =	vgt.f32 v15, v22;
	v13 =	vsel vm1, v13, v12  }
0x97: {  	s17 =	simm.s32 $0x0;
	v26 =	vld [tilespmem:s19+$0xFFFFFF90];
	v12 =	vsel vm1, v16, v14;
	v18 =	vsel vm2, v15, v22;
	v16 =	vimm.s32 $0x0  }
0x98: {  	s18 =	simm.s32 $0x1;
	v25 =	vld [tilespmem:s19+$0xFFFFFFD0];
	vm3 =	vgt.f32 v23, v22;
	vm1 =	vgt.f32 v17, v18;
	v20 =	vsel vm2, s17, v16  }
0x99: {  	v27 =	vsel vm1, v17, v18;
	v20 =	vsel vm1, s18, v20;
	vm1 =	vgt.f32 v19, v22;
	v18 =	vld [tilespmem:s19+$0xFFFFFFE0]  }
0x9a: {  	v31 =	vsel vm3, v23, v22;
	v15 =	vperm.xlane v13, v11;
	v17 =	vld [tilespmem:s19+$0xFFFFFFA0];
	v30 =	vsel vm1, v19, v22  }
0x9b: {  	v14 =	vperm.xlane v12, v11;
	vm5 =	vgt.f32 v28, v31;
	v19 =	vld [tilespmem:s19+$0xFFFFFFB0];
	vm2 =	vgt.f32 v21, v30  }
0x9c: {  	s16 =	simm.s32 $0x2;
	s20 =	simm.s32 $0x4;
	v22 =	vsel vm5, v28, v31;
	v28 =	vimm.s32 $0x0;
	v23 =	vsel vm2, v21, v30;
	v21 =	vld [tilespmem:s19+$0xFFFFFFC0]  }
.LBB2_14:
0x9d: {  	p0 =	sne.s32 s20, $0xFE;
	vm7 =	vgt.f32 v26, v27;
	v30 =	vld [tilespmem:s19+$0xFFFFFFF0];
	v16 =	vsel vm3, s17, v16;
	v29 =	vsel vm4, s17, v29  }
0x9e: {  	v27 =	vsel vm7, v26, v27;
	v31 =	vld [tilespmem:s19+$0x0];
	s19 =	sadd.s32 $0x100, s19;
	v16 =	vsel vm5, s18, v16;
	v29 =	vsel vm6, s18, v29;
	v32 =	vmovc v18  }
0x9f: {  	s21 =	sadd.s32 $0x1, s16;
	v28 =	vsel vm1, s17, v28;
	s17 =	smov.u32 s16;
	v18 =	vsel vm7, s16, v20;
	s16 =	smov.u32 s20;
	v33 =	vld [tilespmem:s19+$0xFFFFFFD0];
	vm3 =	vgt.f32 v25, v27  }
.Ltmp6:
0xa0: {  	v28 =	vsel vm2, s18, v28;
	s18 =	smov.u32 s21;
	v26 =	vld [tilespmem:s19+$0xFFFFFF90];
	v27 =	vsel vm3, v25, v27;
	v20 =	vsel vm3, s21, v18;
	(pc) =	sbr.rel @p0 .LBB2_14-.Ltmp6, $4  }
0xa1: {  	vm1 =	vgt.f32 v17, v23;
	vm3 =	vgt.f32 v19, v22;
	v18 =	vld [tilespmem:s19+$0xFFFFFFE0];
	vm4 =	vgt.f32 v21, v24  }
0xa2: {  	v23 =	vsel vm1, v17, v23;
	v22 =	vsel vm3, v19, v22;
	v17 =	vld [tilespmem:s19+$0xFFFFFFA0];
	v24 =	vsel vm4, v21, v24  }
0xa3: {  	vm2 =	vgt.f32 v32, v23;
	vm5 =	vgt.f32 v30, v22;
	v19 =	vld [tilespmem:s19+$0xFFFFFFB0];
	vm6 =	vgt.f32 v31, v24  }
0xa4: {  	s20 =	sadd.s32 $0x2, s20;
	v23 =	vsel vm2, v32, v23;
	v22 =	vsel vm5, v30, v22;
	v21 =	vld [tilespmem:s19+$0xFFFFFFC0];
	v24 =	vsel vm6, v31, v24;
	v25 =	vmovc v33  }
0xa5: {  	v30 =	vld [tilespmem:s19+$0xFFFFFFF0];
	vm7 =	vgt.f32 v26, v27  }
0xa6: {  	v31 =	vld [tilespmem:s19+$0x0];
	v16 =	vsel vm3, s17, v16;
	v29 =	vsel vm4, s17, v29;
	_ =	swait.ge [sflag:s12], $0x4000;
	v28 =	vsel vm1, s17, v28  }
0xa7: {  	v35 =	vimm.f32 $-Inf;
	v26 =	vsel vm7, v26, v27;
	v27 =	vsel vm5, s18, v16;
	[sflag:s12] =	ssyncset.done $0x0  }
0xa8: {  	s20 =	simm.s32 $0x0;
	v29 =	vsel vm6, s18, v29;
	v20 =	vsel vm7, s16, v20;
	vm3 =	vgt.f32 v25, v26;
	[sflag:s12] =	ssyncadd.s32 $0xFFFFC000  }
0xa9: {  	s31 =	sadd.s32 $0x1, s16;
	vm1 =	vgt.f32 v17, v23;
	v16 =	vsel vm3, v25, v26;
	v26 =	vsel vm2, s18, v28;
	v28 =	vld [tilespmem:s20+$0x8080]  }
0xaa: {  	v20 =	vsel vm3, s31, v20;
	vm2 =	vgt.f32 v19, v22;
	v17 =	vsel vm1, v17, v23;
	v33 =	vld [tilespmem:s20+$0x80C0]  }
0xab: {  	v36 =	vld [tilespmem:s20+$0x80A0];
	vm3 =	vgt.f32 v21, v24;
	v19 =	vsel vm2, v19, v22;
	vm4 =	vgt.f32 v18, v17  }
0xac: {  	v39 =	vld [tilespmem:s20+$0x80B0];
	v23 =	vsel vm1, s16, v26;
	v21 =	vsel vm3, v21, v24;
	vm5 =	vgt.f32 v30, v19  }
0xad: {  	v25 =	vld [tilespmem:s20+$0x80D0];
	v18 =	vsel vm4, v18, v17;
	v22 =	vsel vm3, s16, v29;
	v29 =	vimm.s32 $0x0  }
0xae: {  	v24 =	vld [tilespmem:s20+$0x8090];
	v23 =	vsel vm4, s31, v23;
	vm6 =	vgt.f32 v31, v21;
	v17 =	vsel vm5, v30, v19  }
0xaf: {  	v32 =	vld [tilespmem:s20+$0x80F0];
	v19 =	vsel vm6, v31, v21;
	v21 =	vsel vm2, s16, v27;
	vm2 =	vgt.f32 v28, v35  }
0xb0: {  	s17 =	simm.s32 $0x100;
	v22 =	vsel vm6, s31, v22;
	v27 =	vld [tilespmem:s20+$0x80E0];
	v21 =	vsel vm5, s31, v21;
	v28 =	vsel vm2, v28, v35  }
0xb1: {  	s16 =	simm.s32 $0x0;
	v31 =	vld [tilespmem:s17+$0x80C0];
	vm4 =	vgt.f32 v36, v35;
	vm3 =	vgt.f32 v39, v35;
	vm1 =	vgt.f32 v33, v28  }
0xb2: {  	s18 =	simm.s32 $0x1;
	v26 =	vsel vm2, s16, v29;
	v38 =	vsel vm4, v36, v35;
	v34 =	vsel vm1, v33, v28;
	v33 =	vld [tilespmem:s17+$0x8080]  }
0xb3: {  	v39 =	vsel vm3, v39, v35;
	v30 =	vsel vm1, s18, v26;
	vm1 =	vgt.f32 v24, v35;
	v26 =	vld [tilespmem:s17+$0x80D0]  }
0xb4: {  	v36 =	vimm.s32 $0x0;
	vm6 =	vgt.f32 v32, v39;
	v28 =	vld [tilespmem:s17+$0x80A0];
	v37 =	vsel vm1, v24, v35  }
0xb5: {  	s19 =	simm.s32 $0x1;
	s20 =	simm.s32 $0x800;
	v24 =	vld [tilespmem:s17+$0x8090];
	vm5 =	vgt.f32 v27, v38;
	v35 =	vimm.s32 $0x0;
	vm2 =	vgt.f32 v25, v37  }
.LBB2_16:
0xb6: {  	p0 =	sne.s32 s20, $0x1FC00;
	v40 =	vld [tilespmem:s17+$0x80B0];
	v37 =	vsel vm2, v25, v37;
	v38 =	vsel vm5, v27, v38;
	v39 =	vsel vm6, v32, v39;
	v41 =	vmovc v31  }
0xb7: {  	v42 =	vsel vm4, s16, v29;
	v31 =	vsel vm3, s16, v36;
	s18 =	sadd.s32 $0x2, s18;
	vm7 =	vgt.f32 v33, v34;
	v27 =	vld [tilespmem:s17+$0x80E0]  }
0xb8: {  	s21 =	sadd.s32 $0xFFFFFFFF, s18;
	v29 =	vsel vm5, s19, v42;
	v36 =	vsel vm6, s19, v31;
	v34 =	vsel vm7, v33, v34;
	v32 =	vld [tilespmem:s17+$0x80F0];
	s17 =	sshra.s32 s20, $0x2;
	v25 =	vmovc v26  }
.Ltmp7:
0xb9: {  	v35 =	vsel vm1, s16, v35;
	v26 =	vsel vm7, s21, v30;
	s16 =	smov.u32 s21;
	v31 =	vld [tilespmem:s17+$0x80C0];
	vm3 =	vgt.f32 v41, v34;
	(pc) =	sbr.rel @p0 .LBB2_16-.Ltmp7, $4  }
0xba: {  	v35 =	vsel vm2, s19, v35;
	s19 =	smov.u32 s18;
	v33 =	vld [tilespmem:s17+$0x8080];
	v34 =	vsel vm3, v41, v34;
	v30 =	vsel vm3, s18, v26  }
0xbb: {  	vm1 =	vgt.f32 v24, v37;
	vm4 =	vgt.f32 v28, v38;
	v26 =	vld [tilespmem:s17+$0x80D0];
	vm3 =	vgt.f32 v40, v39  }
0xbc: {  	v37 =	vsel vm1, v24, v37;
	v38 =	vsel vm4, v28, v38;
	v24 =	vld [tilespmem:s17+$0x8090];
	v39 =	vsel vm3, v40, v39  }
0xbd: {  	s20 =	sadd.s32 $0x400, s20;
	vm2 =	vgt.f32 v25, v37;
	vm5 =	vgt.f32 v27, v38;
	v28 =	vld [tilespmem:s17+$0x80A0];
	vm6 =	vgt.f32 v32, v39  }
0xbe: {  	v25 =	vsel vm2, v25, v37;
	v27 =	vsel vm5, v27, v38  }
0xbf: {  	v32 =	vsel vm6, v32, v39;
	v29 =	vsel vm4, s16, v29;
	v36 =	vsel vm3, s16, v36  }
0xc0: {  	v35 =	vsel vm1, s16, v35;
	v20 =	vshll.u32 v20, $0x6;
	v23 =	vshll.u32 v23, $0x6  }
0xc1: {  	v21 =	vshll.u32 v21, $0x6;
	v22 =	vshll.u32 v22, $0x6;
	vm7 =	vgt.f32 v33, v34  }
0xc2: {  	s18 =	sadd.s32 $0x2, s18;
	v29 =	vsel vm5, s19, v29;
	v36 =	vsel vm6, s19, v36;
	v43 =	vsel vm2, s19, v35  }
0xc3: {  	v40 =	vld [tilespmem:s17+$0x80B0];
	s20 =	sadd.s32 $0xFFFFFFFF, s18;
	v20 =	vor.u32 v0, v20;
	v23 =	vor.u32 v1, v23;
	v21 =	vor.u32 v2, v21  }
0xc4: {  	v22 =	vor.u32 v3, v22;
	v33 =	vsel vm7, v33, v34;
	v30 =	vsel vm7, s20, v30  }
0xc5: {  	v41 =	vld [tilespmem:s17+$0x80E0];
	vm8 =	vlt.s32 v22, v21;
	vm3 =	vgt.f32 v31, v33;
	vm1 =	vgt.f32 v24, v25  }
0xc6: {  	v31 =	vsel vm3, v31, v33;
	v30 =	vsel vm3, s18, v30;
	vm2 =	vgt.f32 v28, v27  }
0xc7: {  	v42 =	vld [tilespmem:s17+$0x80F0];
	v24 =	vsel vm1, v24, v25;
	v49 =	vsel vm1, s20, v43;
	vm1 =	vgt.f32 v18, v16  }
0xc8: {  	vm3 =	vgt.f32 v40, v32;
	v44 =	vsel vm2, v28, v27;
	vm13 =	vgt.f32 v26, v24  }
0xc9: {  	v47 =	vsel vm2, s20, v29;
	vm2 =	veq.f32 v18, v16;
	v54 =	vshll.u32 v30, $0x6  }
0xca: {  	v45 =	vsel vm3, v40, v32;
	vm14 =	vgt.f32 v41, v44;
	v24 =	vsel vm13, v26, v24  }
0xcb: {  	v48 =	vsel vm3, s20, v36;
	v29 =	vsel vm13, s18, v49;
	vm3 =	vlt.s32 v23, v20  }
0xcc: {  	vm15 =	vgt.f32 v42, v45;
	v25 =	vsel vm14, v41, v44;
	v27 =	vsel vm14, s18, v47  }
0xcd: {  	vm2 =	vmand vm2, vm3;
	vm3 =	veq.f32 v19, v17;
	v55 =	vshll.u32 v29, $0x6  }
0xce: {  	vm9 =	veq.f32 v24, v31;
	v46 =	vsel vm15, v42, v45;
	v28 =	vsel vm15, s18, v48  }
0xcf: {  	vm1 =	vmor vm1, vm2;
	vm2 =	vgt.f32 v19, v17;
	vm3 =	vmand vm3, vm8  }
0xd0: {  	v56 =	vshll.u32 v27, $0x6;
	v50 =	vsel vm1, v18, v16;
	v51 =	vsel vm1, v23, v20  }
0xd1: {  	vm1 =	vmor vm2, vm3;
	v20 =	vadd.s32 v4, v54;
	v57 =	vshll.u32 v28, $0x6  }
0xd2: {  	vm3 =	vgt.f32 v24, v31;
	vm11 =	veq.f32 v46, v25;
	vm13 =	vgt.f32 v46, v25  }
0xd3: {  	v52 =	vsel vm1, v19, v17;
	v53 =	vsel vm1, v22, v21;
	v21 =	vadd.s32 v5, v55  }
0xd4: {  	v22 =	vadd.s32 v6, v56;
	v23 =	vadd.s32 v7, v57;
	vm10 =	vlt.s32 v21, v20  }
0xd5: {  	vm1 =	vgt.f32 v52, v50;
	vm12 =	vlt.s32 v23, v22;
	vm4 =	vmand vm9, vm10  }
0xd6: {  	vm2 =	veq.f32 v52, v50;
	vm5 =	vmand vm11, vm12;
	vm3 =	vmor vm3, vm4  }
0xd7: {  	vm14 =	vlt.s32 v53, v51;
	vm4 =	vmor vm13, vm5;
	v24 =	vsel vm3, v24, v31  }
0xd8: {  	v20 =	vsel vm3, v21, v20;
	v58 =	vsel vm4, v46, v25;
	v22 =	vsel vm4, v23, v22  }
0xd9: {  	vm2 =	vmand vm2, vm14;
	vm3 =	veq.f32 v58, v24;
	vm4 =	vlt.s32 v22, v20  }
0xda: {  	vm1 =	vmor vm1, vm2;
	vm2 =	vgt.f32 v58, v24;
	vm3 =	vmand vm3, vm4  }
0xdb: {  	v16 =	vsel vm1, v52, v50;
	vm2 =	vmor vm2, vm3  }
0xdc: {  	v59 =	vsel vm1, v53, v51;
	v60 =	vsel vm2, v58, v24;
	v61 =	vsel vm2, v22, v20  }
0xdd: {  	vm1 =	veq.f32 v60, v16;
	vm2 =	vlt.s32 v61, v59  }
0xde: {  	vm3 =	vgt.f32 v60, v16;
	vm1 =	vmand vm1, vm2  }
0xdf: {  	vm1 =	vmor vm3, vm1  }
0xe0: {  	v16 =	vsel vm1, v60, v16;
	v17 =	vsel vm1, v61, v59  }
0xe1: {  	v18 =	vperm.xlane v16, v8;
	v19 =	vperm.xlane v17, v8;
	_ =	sdelay $0x1  }
0xe2: {  	vm1 =	veq.f32 v18, v16;
	vm2 =	vlt.s32 v19, v17  }
0xe3: {  	vm3 =	vgt.f32 v18, v16;
	vm1 =	vmand vm1, vm2  }
0xe4: {  	vm1 =	vmor vm3, vm1  }
0xe5: {  	v16 =	vsel vm1, v18, v16;
	v17 =	vsel vm1, v19, v17  }
0xe6: {  	v18 =	vperm.xlane v16, v9;
	v19 =	vperm.xlane v17, v9;
	_ =	sdelay $0x1  }
0xe7: {  	vm1 =	veq.f32 v18, v16;
	vm2 =	vlt.s32 v19, v17  }
0xe8: {  	vm3 =	vgt.f32 v18, v16;
	vm1 =	vmand vm1, vm2  }
0xe9: {  	vm1 =	vmor vm3, vm1  }
0xea: {  	v16 =	vsel vm1, v18, v16;
	v17 =	vsel vm1, v19, v17  }
0xeb: {  	v18 =	vperm.xlane v16, v10;
	v19 =	vperm.xlane v17, v10;
	_ =	sdelay $0x1  }
0xec: {  	vm1 =	veq.f32 v18, v16;
	vm2 =	vlt.s32 v19, v17  }
0xed: {  	vm3 =	vgt.f32 v18, v16;
	vm1 =	vmand vm1, vm2  }
0xee: {  	vm1 =	vmor vm3, vm1  }
0xef: {  	v16 =	vsel vm1, v18, v16;
	v17 =	vsel vm1, v19, v17  }
0xf0: {  	v18 =	vperm.xlane v16, v11;
	v19 =	vperm.xlane v17, v11  }
0xf1: {  	vm2 =	veq.f32 v15, v13;
	vm3 =	vlt.s32 v14, v12;
	vm1 =	vgt.f32 v15, v13  }
0xf2: {  	vm2 =	vmand vm2, vm3;
	vm3 =	veq.f32 v18, v16;
	vm15 =	vlt.s32 v19, v17  }
0xf3: {  	vm1 =	vmor vm1, vm2;
	vm2 =	vgt.f32 v18, v16;
	vm3 =	vmand vm3, vm15  }
0xf4: {  	v62 =	vsel vm1, v14, v12;
	vm1 =	vmmov $0x1;
	vm2 =	vmor vm2, vm3  }
0xf5: {  	s15 =	sadd.s32 $0x1, s15;
	v12 =	vnsel vm1, $0x0, v62;
	v63 =	vsel vm2, v19, v17  }
0xf6: {  	p0 =	sne.s32 s15, s8;
	v12 =	vsel vm0, v12, v63  }
.Ltmp8:
0xf7: {  	[tilespmem:$0x10000] =	vst v12;
	(pc) =	sbr.rel @p0 .LBB2_1-.Ltmp8, $4  }
0xf8: {  	[hbm4b:s7+s2] =	stream.linear.scatter [tilespmem:s13], [sflag:$0x5], $0x80, $0x38;
	[tilespmem:$0x10080] =	vst v63  }
0xf9: {  	_ =	swait.ge [sflag:s14], $0x80  }
0xfa: {  	[sflag:s14] =	ssyncset.done $0x0  }
0xfb: {  	[sflag:s14] =	ssyncadd.s32 $0xFFFFFF80  }
0xfc: {  	_ =	sfence.sel $0x180000  }
0xfd: {  	[bflag:$0x0] =	sbarrier.arrive $0xFFFF  }
0xfe: {  	p0 =	sne.s32 s0, $0x0;
	_ =	strace $0x90000047  }
0xff: {  	s0 =	sadd.s32 @!p0 $0x100000, s1;
	[bflag:$0x2] =	sbarrier.arrive $0xFFFF  }
0x100: {  	[sflag:s0] =	ssyncadd.tile.s32 @!p0 $0x1;
	_ =	shalt  }
.Lfunc_end2:
_tile_overlayer_lowered:
.L_overlay_start_2:
0x101: {  	(tag) =	ssettag $0x2  }
0x102: {  	s0 =	rddreg [dreg:$0x0];
	s2 =	stileid.u32  }
0x103: {  	s1 =	rddreg [dreg:$0x1];
	p0 =	sne.s32 s2, $0x0  }
0x104: {  	s3 =	rddreg [dreg:$0x2];
	[bflag:$0x3] =	sbarrier.arrive $0xFFFF;
	s2 =	simm.s32 @!p0 $0x1C05  }
0x105: {  	[timem:s3], [sflag:s2] =	dma.local @!p0 [hbm:s0], s1  }
0x106: {  	s0 =	simm.s32 @!p0 $0x5  }
0x107: {  	_ =	swait.ge @!p0 [sflag:s0], s1  }
0x108: {  	s1 =	ssub.s32 @!p0 $0x0, s1;
	[sflag:s0] =	ssyncset.done @!p0 $0x0  }
0x109: {  	[sflag:s0] =	ssyncadd.s32 @!p0 s1  }
0x10a: {  	[bflag:$0x3] =	sbarrier.arrive $0xFFFF  }
0x10b: {  	_ =	shalt  }

</sc_bundles>
